<compile_context>
chip_gen: v7x
topology: tpu7x:2x2x1
jax: 0.10.2.dev20260603
libtpu: 0.0.44.dev20260713+nightly
codegen_flags: <defaults>
</compile_context>

<pallas_src>
import jax
import jax.numpy as jnp
from jax import lax
from jax.experimental import pallas as pl
from jax.experimental.pallas import tpu as pltpu
from jax.experimental.pallas import tpu_sc as plsc

N_NODES = 10000
N_EDGES = 320000
D = 128

NC = 2
NS = 16
NW = NC * NS

EPW = 10240
N_EDGES_P = NW * EPW
CHUNK = 80
HALF = EPW // 2
NCHK = HALF // CHUNK
N_PAD = 10240
RPT = N_PAD // NS
NWB = RPT // CHUNK


def _sc_body(x_hbm, src_hbm, dst_hbm, z2d_hbm, z1d_hbm, agg_out, deg_out,
             agg_sh, deg_sh, idx_s, idx_d, rows_a, rows_b, ones_v,
             sem_a, sem_b, sem_d):
  cid = lax.axis_index("c")
  sid = lax.axis_index("s")
  wid = sid * NC + cid

  for i in range(CHUNK // 16):
    ones_v[pl.ds(i * 16, 16)] = jnp.full((16,), 1.0, jnp.float32)

  r0 = sid * RPT
  pltpu.sync_copy(z2d_hbm, rows_a)
  for j in range(NWB):
    pltpu.sync_copy(rows_a, agg_sh.at[pl.ds(r0 + j * CHUNK, CHUNK)])
  pltpu.sync_copy(z1d_hbm.at[pl.ds(r0, RPT)], deg_sh.at[pl.ds(r0, RPT)])

  last = NCHK - 1

  def s_at(k):
    return idx_s.at[pl.ds(k * CHUNK, CHUNK)]

  def d_at(k):
    return idx_d.at[pl.ds(k * CHUNK, CHUNK)]

  def pair_body(i, carry):
    k = 2 * i
    d0 = pltpu.async_copy(ones_v, deg_sh.at[d_at(k)], sem_d, add=True)
    d1 = pltpu.async_copy(ones_v, deg_sh.at[d_at(k + 1)], sem_d, add=True)
    pltpu.make_async_copy(x_hbm.at[s_at(k)], rows_a, sem_a).wait()
    pltpu.sync_copy(rows_a, agg_sh.at[d_at(k)], add=True)
    ka = jnp.minimum(k + 2, last)
    pltpu.async_copy(x_hbm.at[s_at(ka)], rows_a, sem_a)
    pltpu.make_async_copy(x_hbm.at[s_at(k + 1)], rows_b, sem_b).wait()
    pltpu.sync_copy(rows_b, agg_sh.at[d_at(k + 1)], add=True)
    kb = jnp.minimum(k + 3, last)
    pltpu.async_copy(x_hbm.at[s_at(kb)], rows_b, sem_b)
    d0.wait()
    d1.wait()
    return carry

  for phase in range(2):
    base = phase * HALF
    pltpu.sync_copy(src_hbm.at[wid, pl.ds(base, HALF)], idx_s)
    pltpu.sync_copy(dst_hbm.at[wid, pl.ds(base, HALF)], idx_d)
    if phase == 0:
      plsc.subcore_barrier()
    pltpu.async_copy(x_hbm.at[s_at(0)], rows_a, sem_a)
    pltpu.async_copy(x_hbm.at[s_at(1)], rows_b, sem_b)
    lax.fori_loop(0, NCHK // 2, pair_body, 0)
    pltpu.make_async_copy(x_hbm.at[s_at(last)], rows_a, sem_a).wait()
    pltpu.make_async_copy(x_hbm.at[s_at(last)], rows_b, sem_b).wait()

  plsc.subcore_barrier()

  bufs = (rows_a, rows_b)
  sems = (sem_a, sem_b)
  for j in range(NWB):
    buf, sem = bufs[j % 2], sems[j % 2]
    if j >= 2:
      pltpu.make_async_copy(
          buf, agg_out.at[cid, pl.ds(r0 + (j - 2) * CHUNK, CHUNK)], sem).wait()
    pltpu.sync_copy(agg_sh.at[pl.ds(r0 + j * CHUNK, CHUNK)], buf)
    pltpu.async_copy(buf, agg_out.at[cid, pl.ds(r0 + j * CHUNK, CHUNK)], sem)
  for j in (NWB - 2, NWB - 1):
    buf, sem = bufs[j % 2], sems[j % 2]
    pltpu.make_async_copy(
        buf, agg_out.at[cid, pl.ds(r0 + j * CHUNK, CHUNK)], sem).wait()
  pltpu.sync_copy(deg_sh.at[pl.ds(r0, RPT)], deg_out.at[cid, pl.ds(r0, RPT)])


def _sc_accumulate(x, src2, dst2, z2d, z1d):
  mesh = plsc.VectorSubcoreMesh(
      core_axis_name="c", subcore_axis_name="s", num_cores=NC, num_subcores=NS)
  kern = pl.kernel(
      _sc_body,
      out_type=[
          jax.ShapeDtypeStruct((NC, N_PAD, D), jnp.float32),
          jax.ShapeDtypeStruct((NC, N_PAD), jnp.float32),
      ],
      mesh=mesh,
      scratch_types=[
          pltpu.VMEM_SHARED((N_PAD, D), jnp.float32),
          pltpu.VMEM_SHARED((N_PAD,), jnp.float32),
          pltpu.VMEM((HALF,), jnp.int32),
          pltpu.VMEM((HALF,), jnp.int32),
          pltpu.VMEM((CHUNK, D), jnp.float32),
          pltpu.VMEM((CHUNK, D), jnp.float32),
          pltpu.VMEM((CHUNK,), jnp.float32),
          pltpu.SemaphoreType.DMA,
          pltpu.SemaphoreType.DMA,
          pltpu.SemaphoreType.DMA,
      ],
  )
  return kern(x, src2, dst2, z2d, z1d)


RB = 1000


def _tc_body(agg_ref, deg_ref, x_ref, w_ref, b_ref, o_ref):
  agg = agg_ref[0] + agg_ref[1]
  deg = jnp.maximum(deg_ref[0] + deg_ref[1], 1.0)
  normed = agg / deg
  dn = (((1,), (1,)), ((), ()))
  o_ref[...] = (
      lax.dot_general(normed, w_ref[...], dn,
                      preferred_element_type=jnp.float32)
      + lax.dot_general(x_ref[...], b_ref[...], dn,
                        preferred_element_type=jnp.float32))


def _tc_finish(agg_p, deg_p, x, W, B):
  grid = N_NODES // RB
  deg3 = deg_p.reshape(NC, N_PAD, 1)
  return pl.pallas_call(
      _tc_body,
      grid=(grid,),
      in_specs=[
          pl.BlockSpec((NC, RB, D), lambda i: (0, i, 0)),
          pl.BlockSpec((NC, RB, 1), lambda i: (0, i, 0)),
          pl.BlockSpec((RB, D), lambda i: (i, 0)),
          pl.BlockSpec((D, D), lambda i: (0, 0)),
          pl.BlockSpec((D, D), lambda i: (0, 0)),
      ],
      out_specs=pl.BlockSpec((RB, D), lambda i: (i, 0)),
      out_shape=jax.ShapeDtypeStruct((N_NODES, D), jnp.float32),
  )(agg_p, deg3, x, W, B)


def kernel(x, edge_index, W, B):
  npad = N_EDGES_P - N_EDGES
  src_pad = jnp.zeros((npad,), jnp.int32)
  dst_pad = N_NODES + (jnp.arange(npad, dtype=jnp.int32) % (N_PAD - N_NODES))
  src2 = jnp.concatenate([edge_index[0], src_pad]).reshape(NW, EPW)
  dst2 = jnp.concatenate([edge_index[1], dst_pad]).reshape(NW, EPW)
  z2d = jnp.zeros((CHUNK, D), jnp.float32)
  z1d = jnp.zeros((N_PAD,), jnp.float32)
  agg_p, deg_p = _sc_accumulate(x, src2, dst2, z2d, z1d)
  return _tc_finish(agg_p, deg_p, x, W, B)

# --- scband reference (transcript-rebuilt; emitter-appended) ---
"""Pipeline reference for scband-message-graph-convolution-30494267802264 (READ-ONLY COPY).

The authoritative reference and input builder live on the scoring server;
editing this copy changes nothing except your own understanding.
"""

import jax, jax.numpy as jnp
import numpy as np

N_NODES = 10000
N_EDGES = 320000
D_IN = 128
D_OUT = 128


def setup_inputs(seed: int = 0) -> dict:
    key = jax.random.key(seed)
    k1, k2, k3 = jax.random.split(key, 3)
    x = jax.random.normal(k1, (N_NODES, D_IN), dtype=jnp.float32)
    edge_index = jax.random.randint(k2, (2, N_EDGES), 0, N_NODES, dtype=jnp.int32)
    # xavier_uniform-like init for W, zeros for B (matches torch init)
    limit = float(np.sqrt(6.0 / (D_IN + D_OUT)))
    W = jax.random.uniform(k3, (D_OUT, D_IN), dtype=jnp.float32, minval=-limit, maxval=limit)
    B = jnp.zeros((D_OUT, D_IN), dtype=jnp.float32)
    return {"x": x, "edge_index": edge_index, "W": W, "B": B}


def reference(x, edge_index, W, B):
    num_nodes = x.shape[0]
    src = edge_index[0]
    dst = edge_index[1]
    # message: gather source node features
    messages = x[src]
    # scatter-add aggregation by destination node
    aggregated = jnp.zeros((num_nodes, x.shape[1]), dtype=x.dtype).at[dst].add(messages)
    # degree normalization (clamped at 1)
    sum_weight = jnp.zeros((num_nodes,), dtype=x.dtype).at[dst].add(
        jnp.ones((dst.shape[0],), dtype=x.dtype)
    )
    sum_weight = jnp.maximum(sum_weight, 1.0)
    aggregated = aggregated / sum_weight[:, None]
    # update: F.linear(messages, W) + F.linear(x, B)
    out = aggregated @ W.T + x @ B.T
    return out

if __name__ == "__main__":
    import jax
    _d = setup_inputs()
    print(jax.jit(kernel)(*tuple(_d.values())))

</pallas_src>

<mosaic_0001>
#map = affine_map<(d0, d1) -> (0, 0)>
#map1 = affine_map<(d0, d1) -> (0)>
#map2 = affine_map<(d0, d1) -> (0, 0, 0)>
module attributes {stable_mosaic.version = 14 : i64} {
  func.func @_sc_body(%arg0: i32, %arg1: i32, %arg2: memref<10000x128xf32, #tpu.memory_space<hbm>>, %arg3: memref<32x10240xi32, #tpu.memory_space<hbm>>, %arg4: memref<32x10240xi32, #tpu.memory_space<hbm>>, %arg5: memref<80x128xf32, #tpu.memory_space<hbm>>, %arg6: memref<10240xf32, #tpu.memory_space<hbm>>, %arg7: memref<2x10240x128xf32, #tpu.memory_space<hbm>>, %arg8: memref<2x10240xf32, #tpu.memory_space<hbm>>, %arg9: memref<10240x128xf32, #tpu.memory_space<vmem_shared>>, %arg10: memref<10240xf32, #tpu.memory_space<vmem_shared>>, %arg11: memref<5120xi32, #tpu.memory_space<vmem>>, %arg12: memref<5120xi32, #tpu.memory_space<vmem>>, %arg13: memref<80x128xf32, #tpu.memory_space<vmem>>, %arg14: memref<80x128xf32, #tpu.memory_space<vmem>>, %arg15: memref<80xf32, #tpu.memory_space<vmem>>, %arg16: memref<!tpu.dma_semaphore, #tpu.memory_space<semaphore_mem>>, %arg17: memref<!tpu.dma_semaphore, #tpu.memory_space<semaphore_mem>>, %arg18: memref<!tpu.dma_semaphore, #tpu.memory_space<semaphore_mem>>) attributes {dimension_semantics = [#tpu.dimension_semantics<core_parallel>, #tpu.dimension_semantics<subcore_parallel>], iteration_bounds = array<i64: 2, 16>, scalar_prefetch = 0 : i64, scratch_operands = 10 : i64, tpu.core_type = #tpu.core_type<sc_vector_subcore>, window_params = [{transform_indices = #map}, {transform_indices = #map}, {transform_indices = #map}, {transform_indices = #map}, {transform_indices = #map1}, {transform_indices = #map2}, {transform_indices = #map}]} {
    %mul3A = arith.constant 2 : i32
    %mul3A_0 = arith.muli %arg1, %mul3A : i32
    %add3A = arith.addi %mul3A_0, %arg0 : i32
    %broadcast_in_dim3A = arith.constant 1.000000e+00 : f32
    %broadcast_in_dim3A_1 = vector.broadcast %broadcast_in_dim3A : f32 to vector<16xf32>
    %swap3A = arith.constant 0 : index
    %swap3A_2 = tpu.vector_load %arg15[%swap3A] {strides = array<i32>} : memref<80xf32, #tpu.memory_space<vmem>>, vector<16xf32>,
    %swap3A_3 = vector.shape_cast %swap3A_2 : vector<16xf32> to vector<16xf32>
    %swap3A_4 = vector.shape_cast %broadcast_in_dim3A_1 : vector<16xf32> to vector<16xf32>
    tpu.vector_store %arg15[%swap3A], %swap3A_4 {strides = array<i32>} : memref<80xf32, #tpu.memory_space<vmem>>, vector<16xf32>,
    %broadcast_in_dim3A_5 = arith.constant 1.000000e+00 : f32
    %broadcast_in_dim3A_6 = vector.broadcast %broadcast_in_dim3A_5 : f32 to vector<16xf32>
    %swap3A_7 = arith.constant 16 : index
    %swap3A_8 = tpu.vector_load %arg15[%swap3A_7] {strides = array<i32>} : memref<80xf32, #tpu.memory_space<vmem>>, vector<16xf32>,
    %swap3A_9 = vector.shape_cast %swap3A_8 : vector<16xf32> to vector<16xf32>
    %swap3A_10 = vector.shape_cast %broadcast_in_dim3A_6 : vector<16xf32> to vector<16xf32>
    tpu.vector_store %arg15[%swap3A_7], %swap3A_10 {strides = array<i32>} : memref<80xf32, #tpu.memory_space<vmem>>, vector<16xf32>,
    %broadcast_in_dim3A_11 = arith.constant 1.000000e+00 : f32
    %broadcast_in_dim3A_12 = vector.broadcast %broadcast_in_dim3A_11 : f32 to vector<16xf32>
    %swap3A_13 = arith.constant 32 : index
    %swap3A_14 = tpu.vector_load %arg15[%swap3A_13] {strides = array<i32>} : memref<80xf32, #tpu.memory_space<vmem>>, vector<16xf32>,
    %swap3A_15 = vector.shape_cast %swap3A_14 : vector<16xf32> to vector<16xf32>
    %swap3A_16 = vector.shape_cast %broadcast_in_dim3A_12 : vector<16xf32> to vector<16xf32>
    tpu.vector_store %arg15[%swap3A_13], %swap3A_16 {strides = array<i32>} : memref<80xf32, #tpu.memory_space<vmem>>, vector<16xf32>,
    %broadcast_in_dim3A_17 = arith.constant 1.000000e+00 : f32
    %broadcast_in_dim3A_18 = vector.broadcast %broadcast_in_dim3A_17 : f32 to vector<16xf32>
    %swap3A_19 = arith.constant 48 : index
    %swap3A_20 = tpu.vector_load %arg15[%swap3A_19] {strides = array<i32>} : memref<80xf32, #tpu.memory_space<vmem>>, vector<16xf32>,
    %swap3A_21 = vector.shape_cast %swap3A_20 : vector<16xf32> to vector<16xf32>
    %swap3A_22 = vector.shape_cast %broadcast_in_dim3A_18 : vector<16xf32> to vector<16xf32>
    tpu.vector_store %arg15[%swap3A_19], %swap3A_22 {strides = array<i32>} : memref<80xf32, #tpu.memory_space<vmem>>, vector<16xf32>,
    %broadcast_in_dim3A_23 = arith.constant 1.000000e+00 : f32
    %broadcast_in_dim3A_24 = vector.broadcast %broadcast_in_dim3A_23 : f32 to vector<16xf32>
    %swap3A_25 = arith.constant 64 : index
    %swap3A_26 = tpu.vector_load %arg15[%swap3A_25] {strides = array<i32>} : memref<80xf32, #tpu.memory_space<vmem>>, vector<16xf32>,
    %swap3A_27 = vector.shape_cast %swap3A_26 : vector<16xf32> to vector<16xf32>
    %swap3A_28 = vector.shape_cast %broadcast_in_dim3A_24 : vector<16xf32> to vector<16xf32>
    tpu.vector_store %arg15[%swap3A_25], %swap3A_28 {strides = array<i32>} : memref<80xf32, #tpu.memory_space<vmem>>, vector<16xf32>,
    %mul3A_29 = arith.constant 640 : i32
    %mul3A_30 = arith.muli %arg1, %mul3A_29 : i32
    "tpu.region"() ({
      %run_scoped3A = tpu.sem_alloc : memref<!tpu.dma_semaphore, #tpu.memory_space<semaphore_mem>>
      tpu.enqueue_dma source(%arg5 : memref<80x128xf32, #tpu.memory_space<hbm>>) target(%arg13 : memref<80x128xf32, #tpu.memory_space<vmem>>) target_semaphore(%run_scoped3A : memref<!tpu.dma_semaphore, #tpu.memory_space<semaphore_mem>>)
      tpu.wait_dma2 semaphore(%run_scoped3A : memref<!tpu.dma_semaphore, #tpu.memory_space<semaphore_mem>>) src(%arg5 : memref<80x128xf32, #tpu.memory_space<hbm>>) dst(%arg13 : memref<80x128xf32, #tpu.memory_space<vmem>>)
      tpu.yield
    }) : () -> ()
    %add3A_31 = arith.constant 0 : i32
    %add3A_32 = arith.addi %mul3A_30, %add3A_31 : i32
    "tpu.region"() ({
      %run_scoped3A = tpu.sem_alloc : memref<!tpu.dma_semaphore, #tpu.memory_space<semaphore_mem>>
      %dma_start3A_241 = arith.constant 0 : i32
      %dma_start3A_242 = tpu.memref_slice %arg9[%add3A_32, %dma_start3A_241] : memref<10240x128xf32, #tpu.memory_space<vmem_shared>> -> memref<80x128xf32, #tpu.memory_space<vmem_shared>>
      %dma_start3A_243 = arith.constant 0 : i32
      %dma_start3A_244 = tpu.memref_slice %arg9[%add3A_32, %dma_start3A_243] : memref<10240x128xf32, #tpu.memory_space<vmem_shared>> -> memref<80x128xf32, #tpu.memory_space<vmem_shared>>
      tpu.enqueue_dma source(%arg13 : memref<80x128xf32, #tpu.memory_space<vmem>>) target(%dma_start3A_244 : memref<80x128xf32, #tpu.memory_space<vmem_shared>>) target_semaphore(%run_scoped3A : memref<!tpu.dma_semaphore, #tpu.memory_space<semaphore_mem>>)
      %dma_wait3A_245 = arith.constant 0 : i32
      %dma_wait3A_246 = tpu.memref_slice %arg9[%add3A_32, %dma_wait3A_245] : memref<10240x128xf32, #tpu.memory_space<vmem_shared>> -> memref<80x128xf32, #tpu.memory_space<vmem_shared>>
      %dma_wait3A_247 = arith.constant 0 : i32
      %dma_wait3A_248 = tpu.memref_slice %arg9[%add3A_32, %dma_wait3A_247] : memref<10240x128xf32, #tpu.memory_space<vmem_shared>> -> memref<80x128xf32, #tpu.memory_space<vmem_shared>>
      tpu.wait_dma2 semaphore(%run_scoped3A : memref<!tpu.dma_semaphore, #tpu.memory_space<semaphore_mem>>) src(%arg13 : memref<80x128xf32, #tpu.memory_space<vmem>>) dst(%dma_wait3A_248 : memref<80x128xf32, #tpu.memory_space<vmem_shared>>)
      tpu.yield
    }) : () -> ()
    %add3A_33 = arith.constant 80 : i32
    %add3A_34 = arith.addi %mul3A_30, %add3A_33 : i32
    "tpu.region"() ({
      %run_scoped3A = tpu.sem_alloc : memref<!tpu.dma_semaphore, #tpu.memory_space<semaphore_mem>>
      %dma_start3A_241 = arith.constant 0 : i32
      %dma_start3A_242 = tpu.memref_slice %arg9[%add3A_34, %dma_start3A_241] : memref<10240x128xf32, #tpu.memory_space<vmem_shared>> -> memref<80x128xf32, #tpu.memory_space<vmem_shared>>
      %dma_start3A_243 = arith.constant 0 : i32
      %dma_start3A_244 = tpu.memref_slice %arg9[%add3A_34, %dma_start3A_243] : memref<10240x128xf32, #tpu.memory_space<vmem_shared>> -> memref<80x128xf32, #tpu.memory_space<vmem_shared>>
      tpu.enqueue_dma source(%arg13 : memref<80x128xf32, #tpu.memory_space<vmem>>) target(%dma_start3A_244 : memref<80x128xf32, #tpu.memory_space<vmem_shared>>) target_semaphore(%run_scoped3A : memref<!tpu.dma_semaphore, #tpu.memory_space<semaphore_mem>>)
      %dma_wait3A_245 = arith.constant 0 : i32
      %dma_wait3A_246 = tpu.memref_slice %arg9[%add3A_34, %dma_wait3A_245] : memref<10240x128xf32, #tpu.memory_space<vmem_shared>> -> memref<80x128xf32, #tpu.memory_space<vmem_shared>>
      %dma_wait3A_247 = arith.constant 0 : i32
      %dma_wait3A_248 = tpu.memref_slice %arg9[%add3A_34, %dma_wait3A_247] : memref<10240x128xf32, #tpu.memory_space<vmem_shared>> -> memref<80x128xf32, #tpu.memory_space<vmem_shared>>
      tpu.wait_dma2 semaphore(%run_scoped3A : memref<!tpu.dma_semaphore, #tpu.memory_space<semaphore_mem>>) src(%arg13 : memref<80x128xf32, #tpu.memory_space<vmem>>) dst(%dma_wait3A_248 : memref<80x128xf32, #tpu.memory_space<vmem_shared>>)
      tpu.yield
    }) : () -> ()
    %add3A_35 = arith.constant 160 : i32
    %add3A_36 = arith.addi %mul3A_30, %add3A_35 : i32
    "tpu.region"() ({
      %run_scoped3A = tpu.sem_alloc : memref<!tpu.dma_semaphore, #tpu.memory_space<semaphore_mem>>
      %dma_start3A_241 = arith.constant 0 : i32
      %dma_start3A_242 = tpu.memref_slice %arg9[%add3A_36, %dma_start3A_241] : memref<10240x128xf32, #tpu.memory_space<vmem_shared>> -> memref<80x128xf32, #tpu.memory_space<vmem_shared>>
      %dma_start3A_243 = arith.constant 0 : i32
      %dma_start3A_244 = tpu.memref_slice %arg9[%add3A_36, %dma_start3A_243] : memref<10240x128xf32, #tpu.memory_space<vmem_shared>> -> memref<80x128xf32, #tpu.memory_space<vmem_shared>>
      tpu.enqueue_dma source(%arg13 : memref<80x128xf32, #tpu.memory_space<vmem>>) target(%dma_start3A_244 : memref<80x128xf32, #tpu.memory_space<vmem_shared>>) target_semaphore(%run_scoped3A : memref<!tpu.dma_semaphore, #tpu.memory_space<semaphore_mem>>)
      %dma_wait3A_245 = arith.constant 0 : i32
      %dma_wait3A_246 = tpu.memref_slice %arg9[%add3A_36, %dma_wait3A_245] : memref<10240x128xf32, #tpu.memory_space<vmem_shared>> -> memref<80x128xf32, #tpu.memory_space<vmem_shared>>
      %dma_wait3A_247 = arith.constant 0 : i32
      %dma_wait3A_248 = tpu.memref_slice %arg9[%add3A_36, %dma_wait3A_247] : memref<10240x128xf32, #tpu.memory_space<vmem_shared>> -> memref<80x128xf32, #tpu.memory_space<vmem_shared>>
      tpu.wait_dma2 semaphore(%run_scoped3A : memref<!tpu.dma_semaphore, #tpu.memory_space<semaphore_mem>>) src(%arg13 : memref<80x128xf32, #tpu.memory_space<vmem>>) dst(%dma_wait3A_248 : memref<80x128xf32, #tpu.memory_space<vmem_shared>>)
      tpu.yield
    }) : () -> ()
    %add3A_37 = arith.constant 240 : i32
    %add3A_38 = arith.addi %mul3A_30, %add3A_37 : i32
    "tpu.region"() ({
      %run_scoped3A = tpu.sem_alloc : memref<!tpu.dma_semaphore, #tpu.memory_space<semaphore_mem>>
      %dma_start3A_241 = arith.constant 0 : i32
      %dma_start3A_242 = tpu.memref_slice %arg9[%add3A_38, %dma_start3A_241] : memref<10240x128xf32, #tpu.memory_space<vmem_shared>> -> memref<80x128xf32, #tpu.memory_space<vmem_shared>>
      %dma_start3A_243 = arith.constant 0 : i32
      %dma_start3A_244 = tpu.memref_slice %arg9[%add3A_38, %dma_start3A_243] : memref<10240x128xf32, #tpu.memory_space<vmem_shared>> -> memref<80x128xf32, #tpu.memory_space<vmem_shared>>
      tpu.enqueue_dma source(%arg13 : memref<80x128xf32, #tpu.memory_space<vmem>>) target(%dma_start3A_244 : memref<80x128xf32, #tpu.memory_space<vmem_shared>>) target_semaphore(%run_scoped3A : memref<!tpu.dma_semaphore, #tpu.memory_space<semaphore_mem>>)
      %dma_wait3A_245 = arith.constant 0 : i32
      %dma_wait3A_246 = tpu.memref_slice %arg9[%add3A_38, %dma_wait3A_245] : memref<10240x128xf32, #tpu.memory_space<vmem_shared>> -> memref<80x128xf32, #tpu.memory_space<vmem_shared>>
      %dma_wait3A_247 = arith.constant 0 : i32
      %dma_wait3A_248 = tpu.memref_slice %arg9[%add3A_38, %dma_wait3A_247] : memref<10240x128xf32, #tpu.memory_space<vmem_shared>> -> memref<80x128xf32, #tpu.memory_space<vmem_shared>>
      tpu.wait_dma2 semaphore(%run_scoped3A : memref<!tpu.dma_semaphore, #tpu.memory_space<semaphore_mem>>) src(%arg13 : memref<80x128xf32, #tpu.memory_space<vmem>>) dst(%dma_wait3A_248 : memref<80x128xf32, #tpu.memory_space<vmem_shared>>)
      tpu.yield
    }) : () -> ()
    %add3A_39 = arith.constant 320 : i32
    %add3A_40 = arith.addi %mul3A_30, %add3A_39 : i32
    "tpu.region"() ({
      %run_scoped3A = tpu.sem_alloc : memref<!tpu.dma_semaphore, #tpu.memory_space<semaphore_mem>>
      %dma_start3A_241 = arith.constant 0 : i32
      %dma_start3A_242 = tpu.memref_slice %arg9[%add3A_40, %dma_start3A_241] : memref<10240x128xf32, #tpu.memory_space<vmem_shared>> -> memref<80x128xf32, #tpu.memory_space<vmem_shared>>
      %dma_start3A_243 = arith.constant 0 : i32
      %dma_start3A_244 = tpu.memref_slice %arg9[%add3A_40, %dma_start3A_243] : memref<10240x128xf32, #tpu.memory_space<vmem_shared>> -> memref<80x128xf32, #tpu.memory_space<vmem_shared>>
      tpu.enqueue_dma source(%arg13 : memref<80x128xf32, #tpu.memory_space<vmem>>) target(%dma_start3A_244 : memref<80x128xf32, #tpu.memory_space<vmem_shared>>) target_semaphore(%run_scoped3A : memref<!tpu.dma_semaphore, #tpu.memory_space<semaphore_mem>>)
      %dma_wait3A_245 = arith.constant 0 : i32
      %dma_wait3A_246 = tpu.memref_slice %arg9[%add3A_40, %dma_wait3A_245] : memref<10240x128xf32, #tpu.memory_space<vmem_shared>> -> memref<80x128xf32, #tpu.memory_space<vmem_shared>>
      %dma_wait3A_247 = arith.constant 0 : i32
      %dma_wait3A_248 = tpu.memref_slice %arg9[%add3A_40, %dma_wait3A_247] : memref<10240x128xf32, #tpu.memory_space<vmem_shared>> -> memref<80x128xf32, #tpu.memory_space<vmem_shared>>
      tpu.wait_dma2 semaphore(%run_scoped3A : memref<!tpu.dma_semaphore, #tpu.memory_space<semaphore_mem>>) src(%arg13 : memref<80x128xf32, #tpu.memory_space<vmem>>) dst(%dma_wait3A_248 : memref<80x128xf32, #tpu.memory_space<vmem_shared>>)
      tpu.yield
    }) : () -> ()
    %add3A_41 = arith.constant 400 : i32
    %add3A_42 = arith.addi %mul3A_30, %add3A_41 : i32
    "tpu.region"() ({
      %run_scoped3A = tpu.sem_alloc : memref<!tpu.dma_semaphore, #tpu.memory_space<semaphore_mem>>
      %dma_start3A_241 = arith.constant 0 : i32
      %dma_start3A_242 = tpu.memref_slice %arg9[%add3A_42, %dma_start3A_241] : memref<10240x128xf32, #tpu.memory_space<vmem_shared>> -> memref<80x128xf32, #tpu.memory_space<vmem_shared>>
      %dma_start3A_243 = arith.constant 0 : i32
      %dma_start3A_244 = tpu.memref_slice %arg9[%add3A_42, %dma_start3A_243] : memref<10240x128xf32, #tpu.memory_space<vmem_shared>> -> memref<80x128xf32, #tpu.memory_space<vmem_shared>>
      tpu.enqueue_dma source(%arg13 : memref<80x128xf32, #tpu.memory_space<vmem>>) target(%dma_start3A_244 : memref<80x128xf32, #tpu.memory_space<vmem_shared>>) target_semaphore(%run_scoped3A : memref<!tpu.dma_semaphore, #tpu.memory_space<semaphore_mem>>)
      %dma_wait3A_245 = arith.constant 0 : i32
      %dma_wait3A_246 = tpu.memref_slice %arg9[%add3A_42, %dma_wait3A_245] : memref<10240x128xf32, #tpu.memory_space<vmem_shared>> -> memref<80x128xf32, #tpu.memory_space<vmem_shared>>
      %dma_wait3A_247 = arith.constant 0 : i32
      %dma_wait3A_248 = tpu.memref_slice %arg9[%add3A_42, %dma_wait3A_247] : memref<10240x128xf32, #tpu.memory_space<vmem_shared>> -> memref<80x128xf32, #tpu.memory_space<vmem_shared>>
      tpu.wait_dma2 semaphore(%run_scoped3A : memref<!tpu.dma_semaphore, #tpu.memory_space<semaphore_mem>>) src(%arg13 : memref<80x128xf32, #tpu.memory_space<vmem>>) dst(%dma_wait3A_248 : memref<80x128xf32, #tpu.memory_space<vmem_shared>>)
      tpu.yield
    }) : () -> ()
    %add3A_43 = arith.constant 480 : i32
    %add3A_44 = arith.addi %mul3A_30, %add3A_43 : i32
    "tpu.region"() ({
      %run_scoped3A = tpu.sem_alloc : memref<!tpu.dma_semaphore, #tpu.memory_space<semaphore_mem>>
      %dma_start3A_241 = arith.constant 0 : i32
      %dma_start3A_242 = tpu.memref_slice %arg9[%add3A_44, %dma_start3A_241] : memref<10240x128xf32, #tpu.memory_space<vmem_shared>> -> memref<80x128xf32, #tpu.memory_space<vmem_shared>>
      %dma_start3A_243 = arith.constant 0 : i32
      %dma_start3A_244 = tpu.memref_slice %arg9[%add3A_44, %dma_start3A_243] : memref<10240x128xf32, #tpu.memory_space<vmem_shared>> -> memref<80x128xf32, #tpu.memory_space<vmem_shared>>
      tpu.enqueue_dma source(%arg13 : memref<80x128xf32, #tpu.memory_space<vmem>>) target(%dma_start3A_244 : memref<80x128xf32, #tpu.memory_space<vmem_shared>>) target_semaphore(%run_scoped3A : memref<!tpu.dma_semaphore, #tpu.memory_space<semaphore_mem>>)
      %dma_wait3A_245 = arith.constant 0 : i32
      %dma_wait3A_246 = tpu.memref_slice %arg9[%add3A_44, %dma_wait3A_245] : memref<10240x128xf32, #tpu.memory_space<vmem_shared>> -> memref<80x128xf32, #tpu.memory_space<vmem_shared>>
      %dma_wait3A_247 = arith.constant 0 : i32
      %dma_wait3A_248 = tpu.memref_slice %arg9[%add3A_44, %dma_wait3A_247] : memref<10240x128xf32, #tpu.memory_space<vmem_shared>> -> memref<80x128xf32, #tpu.memory_space<vmem_shared>>
      tpu.wait_dma2 semaphore(%run_scoped3A : memref<!tpu.dma_semaphore, #tpu.memory_space<semaphore_mem>>) src(%arg13 : memref<80x128xf32, #tpu.memory_space<vmem>>) dst(%dma_wait3A_248 : memref<80x128xf32, #tpu.memory_space<vmem_shared>>)
      tpu.yield
    }) : () -> ()
    %add3A_45 = arith.constant 560 : i32
    %add3A_46 = arith.addi %mul3A_30, %add3A_45 : i32
    "tpu.region"() ({
      %run_scoped3A = tpu.sem_alloc : memref<!tpu.dma_semaphore, #tpu.memory_space<semaphore_mem>>
      %dma_start3A_241 = arith.constant 0 : i32
      %dma_start3A_242 = tpu.memref_slice %arg9[%add3A_46, %dma_start3A_241] : memref<10240x128xf32, #tpu.memory_space<vmem_shared>> -> memref<80x128xf32, #tpu.memory_space<vmem_shared>>
      %dma_start3A_243 = arith.constant 0 : i32
      %dma_start3A_244 = tpu.memref_slice %arg9[%add3A_46, %dma_start3A_243] : memref<10240x128xf32, #tpu.memory_space<vmem_shared>> -> memref<80x128xf32, #tpu.memory_space<vmem_shared>>
      tpu.enqueue_dma source(%arg13 : memref<80x128xf32, #tpu.memory_space<vmem>>) target(%dma_start3A_244 : memref<80x128xf32, #tpu.memory_space<vmem_shared>>) target_semaphore(%run_scoped3A : memref<!tpu.dma_semaphore, #tpu.memory_space<semaphore_mem>>)
      %dma_wait3A_245 = arith.constant 0 : i32
      %dma_wait3A_246 = tpu.memref_slice %arg9[%add3A_46, %dma_wait3A_245] : memref<10240x128xf32, #tpu.memory_space<vmem_shared>> -> memref<80x128xf32, #tpu.memory_space<vmem_shared>>
      %dma_wait3A_247 = arith.constant 0 : i32
      %dma_wait3A_248 = tpu.memref_slice %arg9[%add3A_46, %dma_wait3A_247] : memref<10240x128xf32, #tpu.memory_space<vmem_shared>> -> memref<80x128xf32, #tpu.memory_space<vmem_shared>>
      tpu.wait_dma2 semaphore(%run_scoped3A : memref<!tpu.dma_semaphore, #tpu.memory_space<semaphore_mem>>) src(%arg13 : memref<80x128xf32, #tpu.memory_space<vmem>>) dst(%dma_wait3A_248 : memref<80x128xf32, #tpu.memory_space<vmem_shared>>)
      tpu.yield
    }) : () -> ()
    "tpu.region"() ({
      %run_scoped3A = tpu.sem_alloc : memref<!tpu.dma_semaphore, #tpu.memory_space<semaphore_mem>>
      %dma_start3A_241 = tpu.memref_slice %arg10[%mul3A_30] : memref<10240xf32, #tpu.memory_space<vmem_shared>> -> memref<640xf32, #tpu.memory_space<vmem_shared>>
      %dma_start3A_242 = tpu.memref_slice %arg6[%mul3A_30] : memref<10240xf32, #tpu.memory_space<hbm>> -> memref<640xf32, #tpu.memory_space<hbm>>
      tpu.enqueue_dma source(%dma_start3A_242 : memref<640xf32, #tpu.memory_space<hbm>>) target(%dma_start3A_241 : memref<640xf32, #tpu.memory_space<vmem_shared>>) target_semaphore(%run_scoped3A : memref<!tpu.dma_semaphore, #tpu.memory_space<semaphore_mem>>)
      %dma_wait3A_243 = tpu.memref_slice %arg10[%mul3A_30] : memref<10240xf32, #tpu.memory_space<vmem_shared>> -> memref<640xf32, #tpu.memory_space<vmem_shared>>
      %dma_wait3A_244 = tpu.memref_slice %arg6[%mul3A_30] : memref<10240xf32, #tpu.memory_space<hbm>> -> memref<640xf32, #tpu.memory_space<hbm>>
      tpu.wait_dma2 semaphore(%run_scoped3A : memref<!tpu.dma_semaphore, #tpu.memory_space<semaphore_mem>>) src(%dma_wait3A_244 : memref<640xf32, #tpu.memory_space<hbm>>) dst(%dma_wait3A_243 : memref<640xf32, #tpu.memory_space<vmem_shared>>)
      tpu.yield
    }) : () -> ()
    "tpu.region"() ({
      %run_scoped3A = tpu.sem_alloc : memref<!tpu.dma_semaphore, #tpu.memory_space<semaphore_mem>>
      %dma_start3A_241 = arith.constant 0 : i32
      %dma_start3A_242 = tpu.memref_slice %arg3[%add3A, %dma_start3A_241] : memref<32x10240xi32, #tpu.memory_space<hbm>> -> memref<1x5120xi32, #tpu.memory_space<hbm>>
      %dma_start3A_243 = tpu.memref_squeeze %dma_start3A_242 : memref<1x5120xi32, #tpu.memory_space<hbm>> -> memref<5120xi32, #tpu.memory_space<hbm>>
      %dma_start3A_244 = arith.constant 0 : i32
      %dma_start3A_245 = tpu.memref_slice %arg3[%add3A, %dma_start3A_244] : memref<32x10240xi32, #tpu.memory_space<hbm>> -> memref<1x5120xi32, #tpu.memory_space<hbm>>
      %dma_start3A_246 = tpu.memref_squeeze %dma_start3A_245 : memref<1x5120xi32, #tpu.memory_space<hbm>> -> memref<5120xi32, #tpu.memory_space<hbm>>
      tpu.enqueue_dma source(%dma_start3A_246 : memref<5120xi32, #tpu.memory_space<hbm>>) target(%arg11 : memref<5120xi32, #tpu.memory_space<vmem>>) target_semaphore(%run_scoped3A : memref<!tpu.dma_semaphore, #tpu.memory_space<semaphore_mem>>)
      %dma_wait3A_247 = arith.constant 0 : i32
      %dma_wait3A_248 = tpu.memref_slice %arg3[%add3A, %dma_wait3A_247] : memref<32x10240xi32, #tpu.memory_space<hbm>> -> memref<1x5120xi32, #tpu.memory_space<hbm>>
      %dma_wait3A_249 = tpu.memref_squeeze %dma_wait3A_248 : memref<1x5120xi32, #tpu.memory_space<hbm>> -> memref<5120xi32, #tpu.memory_space<hbm>>
      %dma_wait3A_250 = arith.constant 0 : i32
      %dma_wait3A_251 = tpu.memref_slice %arg3[%add3A, %dma_wait3A_250] : memref<32x10240xi32, #tpu.memory_space<hbm>> -> memref<1x5120xi32, #tpu.memory_space<hbm>>
      %dma_wait3A_252 = tpu.memref_squeeze %dma_wait3A_251 : memref<1x5120xi32, #tpu.memory_space<hbm>> -> memref<5120xi32, #tpu.memory_space<hbm>>
      tpu.wait_dma2 semaphore(%run_scoped3A : memref<!tpu.dma_semaphore, #tpu.memory_space<semaphore_mem>>) src(%dma_wait3A_252 : memref<5120xi32, #tpu.memory_space<hbm>>) dst(%arg11 : memref<5120xi32, #tpu.memory_space<vmem>>)
      tpu.yield
    }) : () -> ()
    "tpu.region"() ({
      %run_scoped3A = tpu.sem_alloc : memref<!tpu.dma_semaphore, #tpu.memory_space<semaphore_mem>>
      %dma_start3A_241 = arith.constant 0 : i32
      %dma_start3A_242 = tpu.memref_slice %arg4[%add3A, %dma_start3A_241] : memref<32x10240xi32, #tpu.memory_space<hbm>> -> memref<1x5120xi32, #tpu.memory_space<hbm>>
      %dma_start3A_243 = tpu.memref_squeeze %dma_start3A_242 : memref<1x5120xi32, #tpu.memory_space<hbm>> -> memref<5120xi32, #tpu.memory_space<hbm>>
      %dma_start3A_244 = arith.constant 0 : i32
      %dma_start3A_245 = tpu.memref_slice %arg4[%add3A, %dma_start3A_244] : memref<32x10240xi32, #tpu.memory_space<hbm>> -> memref<1x5120xi32, #tpu.memory_space<hbm>>
      %dma_start3A_246 = tpu.memref_squeeze %dma_start3A_245 : memref<1x5120xi32, #tpu.memory_space<hbm>> -> memref<5120xi32, #tpu.memory_space<hbm>>
      tpu.enqueue_dma source(%dma_start3A_246 : memref<5120xi32, #tpu.memory_space<hbm>>) target(%arg12 : memref<5120xi32, #tpu.memory_space<vmem>>) target_semaphore(%run_scoped3A : memref<!tpu.dma_semaphore, #tpu.memory_space<semaphore_mem>>)
      %dma_wait3A_247 = arith.constant 0 : i32
      %dma_wait3A_248 = tpu.memref_slice %arg4[%add3A, %dma_wait3A_247] : memref<32x10240xi32, #tpu.memory_space<hbm>> -> memref<1x5120xi32, #tpu.memory_space<hbm>>
      %dma_wait3A_249 = tpu.memref_squeeze %dma_wait3A_248 : memref<1x5120xi32, #tpu.memory_space<hbm>> -> memref<5120xi32, #tpu.memory_space<hbm>>
      %dma_wait3A_250 = arith.constant 0 : i32
      %dma_wait3A_251 = tpu.memref_slice %arg4[%add3A, %dma_wait3A_250] : memref<32x10240xi32, #tpu.memory_space<hbm>> -> memref<1x5120xi32, #tpu.memory_space<hbm>>
      %dma_wait3A_252 = tpu.memref_squeeze %dma_wait3A_251 : memref<1x5120xi32, #tpu.memory_space<hbm>> -> memref<5120xi32, #tpu.memory_space<hbm>>
      tpu.wait_dma2 semaphore(%run_scoped3A : memref<!tpu.dma_semaphore, #tpu.memory_space<semaphore_mem>>) src(%dma_wait3A_252 : memref<5120xi32, #tpu.memory_space<hbm>>) dst(%arg12 : memref<5120xi32, #tpu.memory_space<vmem>>)
      tpu.yield
    }) : () -> ()
    %barrier3A = arith.constant 0 : index
    tpu.barrier barrier_id(%barrier3A)
    %dma_start3A = arith.constant 0 : i32
    %dma_start3A_47 = tpu.memref_slice %arg11[%dma_start3A] : memref<5120xi32, #tpu.memory_space<vmem>> -> memref<80xi32, #tpu.memory_space<vmem>>
    %dma_start3A_48 = arith.constant 0 : i32
    %dma_start3A_49 = arith.constant 0 : i32
    %dma_start3A_50 = tpu.memref_slice %arg2[%dma_start3A_48, %dma_start3A_49] : memref<10000x128xf32, #tpu.memory_space<hbm>> -> memref<10000x128xf32, #tpu.memory_space<hbm>>
    tpu.enqueue_indirect_dma source(%dma_start3A_50 : memref<10000x128xf32, #tpu.memory_space<hbm>>) target(%arg13 : memref<80x128xf32, #tpu.memory_space<vmem>>) offsets(%dma_start3A_47 : memref<80xi32, #tpu.memory_space<vmem>>) semaphore(%arg16 : memref<!tpu.dma_semaphore, #tpu.memory_space<semaphore_mem>>)
    %dma_start3A_51 = arith.constant 80 : i32
    %dma_start3A_52 = tpu.memref_slice %arg11[%dma_start3A_51] : memref<5120xi32, #tpu.memory_space<vmem>> -> memref<80xi32, #tpu.memory_space<vmem>>
    %dma_start3A_53 = arith.constant 0 : i32
    %dma_start3A_54 = arith.constant 0 : i32
    %dma_start3A_55 = tpu.memref_slice %arg2[%dma_start3A_53, %dma_start3A_54] : memref<10000x128xf32, #tpu.memory_space<hbm>> -> memref<10000x128xf32, #tpu.memory_space<hbm>>
    tpu.enqueue_indirect_dma source(%dma_start3A_55 : memref<10000x128xf32, #tpu.memory_space<hbm>>) target(%arg14 : memref<80x128xf32, #tpu.memory_space<vmem>>) offsets(%dma_start3A_52 : memref<80xi32, #tpu.memory_space<vmem>>) semaphore(%arg17 : memref<!tpu.dma_semaphore, #tpu.memory_space<semaphore_mem>>)
    %scan3A = arith.constant 0 : i32
    %scan3A_56 = arith.constant 0 : i32
    %scan3A_57 = arith.constant 32 : i32
    %scan3A_58 = arith.addi %scan3A_56, %scan3A_57 : i32
    %scan3A_59 = arith.constant 1 : i32
    scf.for %scan3A_241 = %scan3A_56 to %scan3A_58 step %scan3A_59  : i32 {
      %mul3A_242 = arith.constant 2 : i32
      %mul3A_243 = arith.muli %mul3A_242, %scan3A_241 : i32
      %mul3A_244 = arith.constant 80 : i32
      %mul3A_245 = arith.muli %mul3A_243, %mul3A_244 : i32
      %dma_start3A_246 = tpu.memref_slice %arg12[%mul3A_245] : memref<5120xi32, #tpu.memory_space<vmem>> -> memref<80xi32, #tpu.memory_space<vmem>>
      %dma_start3A_247 = arith.constant 0 : i32
      %dma_start3A_248 = tpu.memref_slice %arg10[%dma_start3A_247] : memref<10240xf32, #tpu.memory_space<vmem_shared>> -> memref<10240xf32, #tpu.memory_space<vmem_shared>>
      tpu.enqueue_indirect_dma source(%arg15 : memref<80xf32, #tpu.memory_space<vmem>>) target(%dma_start3A_248 : memref<10240xf32, #tpu.memory_space<vmem_shared>>) offsets(%dma_start3A_246 : memref<80xi32, #tpu.memory_space<vmem>>) semaphore(%arg18 : memref<!tpu.dma_semaphore, #tpu.memory_space<semaphore_mem>>) {add = true}
      %add3A_249 = arith.constant 1 : i32
      %add3A_250 = arith.addi %mul3A_243, %add3A_249 : i32
      %mul3A_251 = arith.constant 80 : i32
      %mul3A_252 = arith.muli %add3A_250, %mul3A_251 : i32
      %dma_start3A_253 = tpu.memref_slice %arg12[%mul3A_252] : memref<5120xi32, #tpu.memory_space<vmem>> -> memref<80xi32, #tpu.memory_space<vmem>>
      %dma_start3A_254 = arith.constant 0 : i32
      %dma_start3A_255 = tpu.memref_slice %arg10[%dma_start3A_254] : memref<10240xf32, #tpu.memory_space<vmem_shared>> -> memref<10240xf32, #tpu.memory_space<vmem_shared>>
      tpu.enqueue_indirect_dma source(%arg15 : memref<80xf32, #tpu.memory_space<vmem>>) target(%dma_start3A_255 : memref<10240xf32, #tpu.memory_space<vmem_shared>>) offsets(%dma_start3A_253 : memref<80xi32, #tpu.memory_space<vmem>>) semaphore(%arg18 : memref<!tpu.dma_semaphore, #tpu.memory_space<semaphore_mem>>) {add = true}
      %mul3A_256 = arith.constant 80 : i32
      %mul3A_257 = arith.muli %mul3A_243, %mul3A_256 : i32
      %dma_wait3A_258 = tpu.memref_slice %arg11[%mul3A_257] : memref<5120xi32, #tpu.memory_space<vmem>> -> memref<80xi32, #tpu.memory_space<vmem>>
      %dma_wait3A_259 = arith.constant 0 : i32
      %dma_wait3A_260 = arith.constant 0 : i32
      %dma_wait3A_261 = tpu.memref_slice %arg2[%dma_wait3A_259, %dma_wait3A_260] : memref<10000x128xf32, #tpu.memory_space<hbm>> -> memref<10000x128xf32, #tpu.memory_space<hbm>>
      tpu.wait_indirect_dma semaphore(%arg16 : memref<!tpu.dma_semaphore, #tpu.memory_space<semaphore_mem>>) src(%dma_wait3A_261 : memref<10000x128xf32, #tpu.memory_space<hbm>>) dst(%arg13 : memref<80x128xf32, #tpu.memory_space<vmem>>)
      %mul3A_262 = arith.constant 80 : i32
      %mul3A_263 = arith.muli %mul3A_243, %mul3A_262 : i32
      "tpu.region"() ({
        %run_scoped3A = tpu.sem_alloc : memref<!tpu.dma_semaphore, #tpu.memory_space<semaphore_mem>>
        %dma_start3A_301 = tpu.memref_slice %arg12[%mul3A_263] : memref<5120xi32, #tpu.memory_space<vmem>> -> memref<80xi32, #tpu.memory_space<vmem>>
        %dma_start3A_302 = arith.constant 0 : i32
        %dma_start3A_303 = arith.constant 0 : i32
        %dma_start3A_304 = tpu.memref_slice %arg9[%dma_start3A_302, %dma_start3A_303] : memref<10240x128xf32, #tpu.memory_space<vmem_shared>> -> memref<10240x128xf32, #tpu.memory_space<vmem_shared>>
        tpu.enqueue_indirect_dma source(%arg13 : memref<80x128xf32, #tpu.memory_space<vmem>>) target(%dma_start3A_304 : memref<10240x128xf32, #tpu.memory_space<vmem_shared>>) offsets(%dma_start3A_301 : memref<80xi32, #tpu.memory_space<vmem>>) semaphore(%run_scoped3A : memref<!tpu.dma_semaphore, #tpu.memory_space<semaphore_mem>>) {add = true}
        %dma_wait3A_305 = tpu.memref_slice %arg12[%mul3A_263] : memref<5120xi32, #tpu.memory_space<vmem>> -> memref<80xi32, #tpu.memory_space<vmem>>
        %dma_wait3A_306 = arith.constant 0 : i32
        %dma_wait3A_307 = arith.constant 0 : i32
        %dma_wait3A_308 = tpu.memref_slice %arg9[%dma_wait3A_306, %dma_wait3A_307] : memref<10240x128xf32, #tpu.memory_space<vmem_shared>> -> memref<10240x128xf32, #tpu.memory_space<vmem_shared>>
        tpu.wait_indirect_dma semaphore(%run_scoped3A : memref<!tpu.dma_semaphore, #tpu.memory_space<semaphore_mem>>) src(%arg13 : memref<80x128xf32, #tpu.memory_space<vmem>>) dst(%dma_wait3A_308 : memref<10240x128xf32, #tpu.memory_space<vmem_shared>>)
        tpu.yield
      }) : () -> ()
      %add3A_264 = arith.constant 2 : i32
      %add3A_265 = arith.addi %mul3A_243, %add3A_264 : i32
      %min3A = arith.constant 63 : i32
      %min3A_266 = arith.minsi %add3A_265, %min3A : i32
      %mul3A_267 = arith.constant 80 : i32
      %mul3A_268 = arith.muli %min3A_266, %mul3A_267 : i32
      %dma_start3A_269 = tpu.memref_slice %arg11[%mul3A_268] : memref<5120xi32, #tpu.memory_space<vmem>> -> memref<80xi32, #tpu.memory_space<vmem>>
      %dma_start3A_270 = arith.constant 0 : i32
      %dma_start3A_271 = arith.constant 0 : i32
      %dma_start3A_272 = tpu.memref_slice %arg2[%dma_start3A_270, %dma_start3A_271] : memref<10000x128xf32, #tpu.memory_space<hbm>> -> memref<10000x128xf32, #tpu.memory_space<hbm>>
      tpu.enqueue_indirect_dma source(%dma_start3A_272 : memref<10000x128xf32, #tpu.memory_space<hbm>>) target(%arg13 : memref<80x128xf32, #tpu.memory_space<vmem>>) offsets(%dma_start3A_269 : memref<80xi32, #tpu.memory_space<vmem>>) semaphore(%arg16 : memref<!tpu.dma_semaphore, #tpu.memory_space<semaphore_mem>>)
      %add3A_273 = arith.constant 1 : i32
      %add3A_274 = arith.addi %mul3A_243, %add3A_273 : i32
      %mul3A_275 = arith.constant 80 : i32
      %mul3A_276 = arith.muli %add3A_274, %mul3A_275 : i32
      %dma_wait3A_277 = tpu.memref_slice %arg11[%mul3A_276] : memref<5120xi32, #tpu.memory_space<vmem>> -> memref<80xi32, #tpu.memory_space<vmem>>
      %dma_wait3A_278 = arith.constant 0 : i32
      %dma_wait3A_279 = arith.constant 0 : i32
      %dma_wait3A_280 = tpu.memref_slice %arg2[%dma_wait3A_278, %dma_wait3A_279] : memref<10000x128xf32, #tpu.memory_space<hbm>> -> memref<10000x128xf32, #tpu.memory_space<hbm>>
      tpu.wait_indirect_dma semaphore(%arg17 : memref<!tpu.dma_semaphore, #tpu.memory_space<semaphore_mem>>) src(%dma_wait3A_280 : memref<10000x128xf32, #tpu.memory_space<hbm>>) dst(%arg14 : memref<80x128xf32, #tpu.memory_space<vmem>>)
      %add3A_281 = arith.constant 1 : i32
      %add3A_282 = arith.addi %mul3A_243, %add3A_281 : i32
      %mul3A_283 = arith.constant 80 : i32
      %mul3A_284 = arith.muli %add3A_282, %mul3A_283 : i32
      "tpu.region"() ({
        %run_scoped3A = tpu.sem_alloc : memref<!tpu.dma_semaphore, #tpu.memory_space<semaphore_mem>>
        %dma_start3A_301 = tpu.memref_slice %arg12[%mul3A_284] : memref<5120xi32, #tpu.memory_space<vmem>> -> memref<80xi32, #tpu.memory_space<vmem>>
        %dma_start3A_302 = arith.constant 0 : i32
        %dma_start3A_303 = arith.constant 0 : i32
        %dma_start3A_304 = tpu.memref_slice %arg9[%dma_start3A_302, %dma_start3A_303] : memref<10240x128xf32, #tpu.memory_space<vmem_shared>> -> memref<10240x128xf32, #tpu.memory_space<vmem_shared>>
        tpu.enqueue_indirect_dma source(%arg14 : memref<80x128xf32, #tpu.memory_space<vmem>>) target(%dma_start3A_304 : memref<10240x128xf32, #tpu.memory_space<vmem_shared>>) offsets(%dma_start3A_301 : memref<80xi32, #tpu.memory_space<vmem>>) semaphore(%run_scoped3A : memref<!tpu.dma_semaphore, #tpu.memory_space<semaphore_mem>>) {add = true}
        %dma_wait3A_305 = tpu.memref_slice %arg12[%mul3A_284] : memref<5120xi32, #tpu.memory_space<vmem>> -> memref<80xi32, #tpu.memory_space<vmem>>
        %dma_wait3A_306 = arith.constant 0 : i32
        %dma_wait3A_307 = arith.constant 0 : i32
        %dma_wait3A_308 = tpu.memref_slice %arg9[%dma_wait3A_306, %dma_wait3A_307] : memref<10240x128xf32, #tpu.memory_space<vmem_shared>> -> memref<10240x128xf32, #tpu.memory_space<vmem_shared>>
        tpu.wait_indirect_dma semaphore(%run_scoped3A : memref<!tpu.dma_semaphore, #tpu.memory_space<semaphore_mem>>) src(%arg14 : memref<80x128xf32, #tpu.memory_space<vmem>>) dst(%dma_wait3A_308 : memref<10240x128xf32, #tpu.memory_space<vmem_shared>>)
        tpu.yield
      }) : () -> ()
      %add3A_285 = arith.constant 3 : i32
      %add3A_286 = arith.addi %mul3A_243, %add3A_285 : i32
      %min3A_287 = arith.constant 63 : i32
      %min3A_288 = arith.minsi %add3A_286, %min3A_287 : i32
      %mul3A_289 = arith.constant 80 : i32
      %mul3A_290 = arith.muli %min3A_288, %mul3A_289 : i32
      %dma_start3A_291 = tpu.memref_slice %arg11[%mul3A_290] : memref<5120xi32, #tpu.memory_space<vmem>> -> memref<80xi32, #tpu.memory_space<vmem>>
      %dma_start3A_292 = arith.constant 0 : i32
      %dma_start3A_293 = arith.constant 0 : i32
      %dma_start3A_294 = tpu.memref_slice %arg2[%dma_start3A_292, %dma_start3A_293] : memref<10000x128xf32, #tpu.memory_space<hbm>> -> memref<10000x128xf32, #tpu.memory_space<hbm>>
      tpu.enqueue_indirect_dma source(%dma_start3A_294 : memref<10000x128xf32, #tpu.memory_space<hbm>>) target(%arg14 : memref<80x128xf32, #tpu.memory_space<vmem>>) offsets(%dma_start3A_291 : memref<80xi32, #tpu.memory_space<vmem>>) semaphore(%arg17 : memref<!tpu.dma_semaphore, #tpu.memory_space<semaphore_mem>>)
      %dma_wait3A_295 = tpu.memref_slice %arg12[%mul3A_245] : memref<5120xi32, #tpu.memory_space<vmem>> -> memref<80xi32, #tpu.memory_space<vmem>>
      %dma_wait3A_296 = arith.constant 0 : i32
      %dma_wait3A_297 = tpu.memref_slice %arg10[%dma_wait3A_296] : memref<10240xf32, #tpu.memory_space<vmem_shared>> -> memref<10240xf32, #tpu.memory_space<vmem_shared>>
      tpu.wait_indirect_dma semaphore(%arg18 : memref<!tpu.dma_semaphore, #tpu.memory_space<semaphore_mem>>) src(%arg15 : memref<80xf32, #tpu.memory_space<vmem>>) dst(%dma_wait3A_297 : memref<10240xf32, #tpu.memory_space<vmem_shared>>)
      %dma_wait3A_298 = tpu.memref_slice %arg12[%mul3A_252] : memref<5120xi32, #tpu.memory_space<vmem>> -> memref<80xi32, #tpu.memory_space<vmem>>
      %dma_wait3A_299 = arith.constant 0 : i32
      %dma_wait3A_300 = tpu.memref_slice %arg10[%dma_wait3A_299] : memref<10240xf32, #tpu.memory_space<vmem_shared>> -> memref<10240xf32, #tpu.memory_space<vmem_shared>>
      tpu.wait_indirect_dma semaphore(%arg18 : memref<!tpu.dma_semaphore, #tpu.memory_space<semaphore_mem>>) src(%arg15 : memref<80xf32, #tpu.memory_space<vmem>>) dst(%dma_wait3A_300 : memref<10240xf32, #tpu.memory_space<vmem_shared>>)
    }
    %scan3A_60 = arith.constant 32 : i32
    %dma_wait3A = arith.constant 5040 : i32
    %dma_wait3A_61 = tpu.memref_slice %arg11[%dma_wait3A] : memref<5120xi32, #tpu.memory_space<vmem>> -> memref<80xi32, #tpu.memory_space<vmem>>
    %dma_wait3A_62 = arith.constant 0 : i32
    %dma_wait3A_63 = arith.constant 0 : i32
    %dma_wait3A_64 = tpu.memref_slice %arg2[%dma_wait3A_62, %dma_wait3A_63] : memref<10000x128xf32, #tpu.memory_space<hbm>> -> memref<10000x128xf32, #tpu.memory_space<hbm>>
    tpu.wait_indirect_dma semaphore(%arg16 : memref<!tpu.dma_semaphore, #tpu.memory_space<semaphore_mem>>) src(%dma_wait3A_64 : memref<10000x128xf32, #tpu.memory_space<hbm>>) dst(%arg13 : memref<80x128xf32, #tpu.memory_space<vmem>>)
    %dma_wait3A_65 = arith.constant 5040 : i32
    %dma_wait3A_66 = tpu.memref_slice %arg11[%dma_wait3A_65] : memref<5120xi32, #tpu.memory_space<vmem>> -> memref<80xi32, #tpu.memory_space<vmem>>
    %dma_wait3A_67 = arith.constant 0 : i32
    %dma_wait3A_68 = arith.constant 0 : i32
    %dma_wait3A_69 = tpu.memref_slice %arg2[%dma_wait3A_67, %dma_wait3A_68] : memref<10000x128xf32, #tpu.memory_space<hbm>> -> memref<10000x128xf32, #tpu.memory_space<hbm>>
    tpu.wait_indirect_dma semaphore(%arg17 : memref<!tpu.dma_semaphore, #tpu.memory_space<semaphore_mem>>) src(%dma_wait3A_69 : memref<10000x128xf32, #tpu.memory_space<hbm>>) dst(%arg14 : memref<80x128xf32, #tpu.memory_space<vmem>>)
    "tpu.region"() ({
      %run_scoped3A = tpu.sem_alloc : memref<!tpu.dma_semaphore, #tpu.memory_space<semaphore_mem>>
      %dma_start3A_241 = arith.constant 5120 : i32
      %dma_start3A_242 = tpu.memref_slice %arg3[%add3A, %dma_start3A_241] : memref<32x10240xi32, #tpu.memory_space<hbm>> -> memref<1x5120xi32, #tpu.memory_space<hbm>>
      %dma_start3A_243 = tpu.memref_squeeze %dma_start3A_242 : memref<1x5120xi32, #tpu.memory_space<hbm>> -> memref<5120xi32, #tpu.memory_space<hbm>>
      %dma_start3A_244 = arith.constant 5120 : i32
      %dma_start3A_245 = tpu.memref_slice %arg3[%add3A, %dma_start3A_244] : memref<32x10240xi32, #tpu.memory_space<hbm>> -> memref<1x5120xi32, #tpu.memory_space<hbm>>
      %dma_start3A_246 = tpu.memref_squeeze %dma_start3A_245 : memref<1x5120xi32, #tpu.memory_space<hbm>> -> memref<5120xi32, #tpu.memory_space<hbm>>
      tpu.enqueue_dma source(%dma_start3A_246 : memref<5120xi32, #tpu.memory_space<hbm>>) target(%arg11 : memref<5120xi32, #tpu.memory_space<vmem>>) target_semaphore(%run_scoped3A : memref<!tpu.dma_semaphore, #tpu.memory_space<semaphore_mem>>)
      %dma_wait3A_247 = arith.constant 5120 : i32
      %dma_wait3A_248 = tpu.memref_slice %arg3[%add3A, %dma_wait3A_247] : memref<32x10240xi32, #tpu.memory_space<hbm>> -> memref<1x5120xi32, #tpu.memory_space<hbm>>
      %dma_wait3A_249 = tpu.memref_squeeze %dma_wait3A_248 : memref<1x5120xi32, #tpu.memory_space<hbm>> -> memref<5120xi32, #tpu.memory_space<hbm>>
      %dma_wait3A_250 = arith.constant 5120 : i32
      %dma_wait3A_251 = tpu.memref_slice %arg3[%add3A, %dma_wait3A_250] : memref<32x10240xi32, #tpu.memory_space<hbm>> -> memref<1x5120xi32, #tpu.memory_space<hbm>>
      %dma_wait3A_252 = tpu.memref_squeeze %dma_wait3A_251 : memref<1x5120xi32, #tpu.memory_space<hbm>> -> memref<5120xi32, #tpu.memory_space<hbm>>
      tpu.wait_dma2 semaphore(%run_scoped3A : memref<!tpu.dma_semaphore, #tpu.memory_space<semaphore_mem>>) src(%dma_wait3A_252 : memref<5120xi32, #tpu.memory_space<hbm>>) dst(%arg11 : memref<5120xi32, #tpu.memory_space<vmem>>)
      tpu.yield
    }) : () -> ()
    "tpu.region"() ({
      %run_scoped3A = tpu.sem_alloc : memref<!tpu.dma_semaphore, #tpu.memory_space<semaphore_mem>>
      %dma_start3A_241 = arith.constant 5120 : i32
      %dma_start3A_242 = tpu.memref_slice %arg4[%add3A, %dma_start3A_241] : memref<32x10240xi32, #tpu.memory_space<hbm>> -> memref<1x5120xi32, #tpu.memory_space<hbm>>
      %dma_start3A_243 = tpu.memref_squeeze %dma_start3A_242 : memref<1x5120xi32, #tpu.memory_space<hbm>> -> memref<5120xi32, #tpu.memory_space<hbm>>
      %dma_start3A_244 = arith.constant 5120 : i32
      %dma_start3A_245 = tpu.memref_slice %arg4[%add3A, %dma_start3A_244] : memref<32x10240xi32, #tpu.memory_space<hbm>> -> memref<1x5120xi32, #tpu.memory_space<hbm>>
      %dma_start3A_246 = tpu.memref_squeeze %dma_start3A_245 : memref<1x5120xi32, #tpu.memory_space<hbm>> -> memref<5120xi32, #tpu.memory_space<hbm>>
      tpu.enqueue_dma source(%dma_start3A_246 : memref<5120xi32, #tpu.memory_space<hbm>>) target(%arg12 : memref<5120xi32, #tpu.memory_space<vmem>>) target_semaphore(%run_scoped3A : memref<!tpu.dma_semaphore, #tpu.memory_space<semaphore_mem>>)
      %dma_wait3A_247 = arith.constant 5120 : i32
      %dma_wait3A_248 = tpu.memref_slice %arg4[%add3A, %dma_wait3A_247] : memref<32x10240xi32, #tpu.memory_space<hbm>> -> memref<1x5120xi32, #tpu.memory_space<hbm>>
      %dma_wait3A_249 = tpu.memref_squeeze %dma_wait3A_248 : memref<1x5120xi32, #tpu.memory_space<hbm>> -> memref<5120xi32, #tpu.memory_space<hbm>>
      %dma_wait3A_250 = arith.constant 5120 : i32
      %dma_wait3A_251 = tpu.memref_slice %arg4[%add3A, %dma_wait3A_250] : memref<32x10240xi32, #tpu.memory_space<hbm>> -> memref<1x5120xi32, #tpu.memory_space<hbm>>
      %dma_wait3A_252 = tpu.memref_squeeze %dma_wait3A_251 : memref<1x5120xi32, #tpu.memory_space<hbm>> -> memref<5120xi32, #tpu.memory_space<hbm>>
      tpu.wait_dma2 semaphore(%run_scoped3A : memref<!tpu.dma_semaphore, #tpu.memory_space<semaphore_mem>>) src(%dma_wait3A_252 : memref<5120xi32, #tpu.memory_space<hbm>>) dst(%arg12 : memref<5120xi32, #tpu.memory_space<vmem>>)
      tpu.yield
    }) : () -> ()
    %dma_start3A_70 = arith.constant 0 : i32
    %dma_start3A_71 = tpu.memref_slice %arg11[%dma_start3A_70] : memref<5120xi32, #tpu.memory_space<vmem>> -> memref<80xi32, #tpu.memory_space<vmem>>
    %dma_start3A_72 = arith.constant 0 : i32
    %dma_start3A_73 = arith.constant 0 : i32
    %dma_start3A_74 = tpu.memref_slice %arg2[%dma_start3A_72, %dma_start3A_73] : memref<10000x128xf32, #tpu.memory_space<hbm>> -> memref<10000x128xf32, #tpu.memory_space<hbm>>
    tpu.enqueue_indirect_dma source(%dma_start3A_74 : memref<10000x128xf32, #tpu.memory_space<hbm>>) target(%arg13 : memref<80x128xf32, #tpu.memory_space<vmem>>) offsets(%dma_start3A_71 : memref<80xi32, #tpu.memory_space<vmem>>) semaphore(%arg16 : memref<!tpu.dma_semaphore, #tpu.memory_space<semaphore_mem>>)
    %dma_start3A_75 = arith.constant 80 : i32
    %dma_start3A_76 = tpu.memref_slice %arg11[%dma_start3A_75] : memref<5120xi32, #tpu.memory_space<vmem>> -> memref<80xi32, #tpu.memory_space<vmem>>
    %dma_start3A_77 = arith.constant 0 : i32
    %dma_start3A_78 = arith.constant 0 : i32
    %dma_start3A_79 = tpu.memref_slice %arg2[%dma_start3A_77, %dma_start3A_78] : memref<10000x128xf32, #tpu.memory_space<hbm>> -> memref<10000x128xf32, #tpu.memory_space<hbm>>
    tpu.enqueue_indirect_dma source(%dma_start3A_79 : memref<10000x128xf32, #tpu.memory_space<hbm>>) target(%arg14 : memref<80x128xf32, #tpu.memory_space<vmem>>) offsets(%dma_start3A_76 : memref<80xi32, #tpu.memory_space<vmem>>) semaphore(%arg17 : memref<!tpu.dma_semaphore, #tpu.memory_space<semaphore_mem>>)
    %scan3A_80 = arith.constant 0 : i32
    %scan3A_81 = arith.constant 0 : i32
    %scan3A_82 = arith.constant 32 : i32
    %scan3A_83 = arith.addi %scan3A_81, %scan3A_82 : i32
    %scan3A_84 = arith.constant 1 : i32
    scf.for %scan3A_241 = %scan3A_81 to %scan3A_83 step %scan3A_84  : i32 {
      %mul3A_242 = arith.constant 2 : i32
      %mul3A_243 = arith.muli %mul3A_242, %scan3A_241 : i32
      %mul3A_244 = arith.constant 80 : i32
      %mul3A_245 = arith.muli %mul3A_243, %mul3A_244 : i32
      %dma_start3A_246 = tpu.memref_slice %arg12[%mul3A_245] : memref<5120xi32, #tpu.memory_space<vmem>> -> memref<80xi32, #tpu.memory_space<vmem>>
      %dma_start3A_247 = arith.constant 0 : i32
      %dma_start3A_248 = tpu.memref_slice %arg10[%dma_start3A_247] : memref<10240xf32, #tpu.memory_space<vmem_shared>> -> memref<10240xf32, #tpu.memory_space<vmem_shared>>
      tpu.enqueue_indirect_dma source(%arg15 : memref<80xf32, #tpu.memory_space<vmem>>) target(%dma_start3A_248 : memref<10240xf32, #tpu.memory_space<vmem_shared>>) offsets(%dma_start3A_246 : memref<80xi32, #tpu.memory_space<vmem>>) semaphore(%arg18 : memref<!tpu.dma_semaphore, #tpu.memory_space<semaphore_mem>>) {add = true}
      %add3A_249 = arith.constant 1 : i32
      %add3A_250 = arith.addi %mul3A_243, %add3A_249 : i32
      %mul3A_251 = arith.constant 80 : i32
      %mul3A_252 = arith.muli %add3A_250, %mul3A_251 : i32
      %dma_start3A_253 = tpu.memref_slice %arg12[%mul3A_252] : memref<5120xi32, #tpu.memory_space<vmem>> -> memref<80xi32, #tpu.memory_space<vmem>>
      %dma_start3A_254 = arith.constant 0 : i32
      %dma_start3A_255 = tpu.memref_slice %arg10[%dma_start3A_254] : memref<10240xf32, #tpu.memory_space<vmem_shared>> -> memref<10240xf32, #tpu.memory_space<vmem_shared>>
      tpu.enqueue_indirect_dma source(%arg15 : memref<80xf32, #tpu.memory_space<vmem>>) target(%dma_start3A_255 : memref<10240xf32, #tpu.memory_space<vmem_shared>>) offsets(%dma_start3A_253 : memref<80xi32, #tpu.memory_space<vmem>>) semaphore(%arg18 : memref<!tpu.dma_semaphore, #tpu.memory_space<semaphore_mem>>) {add = true}
      %mul3A_256 = arith.constant 80 : i32
      %mul3A_257 = arith.muli %mul3A_243, %mul3A_256 : i32
      %dma_wait3A_258 = tpu.memref_slice %arg11[%mul3A_257] : memref<5120xi32, #tpu.memory_space<vmem>> -> memref<80xi32, #tpu.memory_space<vmem>>
      %dma_wait3A_259 = arith.constant 0 : i32
      %dma_wait3A_260 = arith.constant 0 : i32
      %dma_wait3A_261 = tpu.memref_slice %arg2[%dma_wait3A_259, %dma_wait3A_260] : memref<10000x128xf32, #tpu.memory_space<hbm>> -> memref<10000x128xf32, #tpu.memory_space<hbm>>
      tpu.wait_indirect_dma semaphore(%arg16 : memref<!tpu.dma_semaphore, #tpu.memory_space<semaphore_mem>>) src(%dma_wait3A_261 : memref<10000x128xf32, #tpu.memory_space<hbm>>) dst(%arg13 : memref<80x128xf32, #tpu.memory_space<vmem>>)
      %mul3A_262 = arith.constant 80 : i32
      %mul3A_263 = arith.muli %mul3A_243, %mul3A_262 : i32
      "tpu.region"() ({
        %run_scoped3A = tpu.sem_alloc : memref<!tpu.dma_semaphore, #tpu.memory_space<semaphore_mem>>
        %dma_start3A_301 = tpu.memref_slice %arg12[%mul3A_263] : memref<5120xi32, #tpu.memory_space<vmem>> -> memref<80xi32, #tpu.memory_space<vmem>>
        %dma_start3A_302 = arith.constant 0 : i32
        %dma_start3A_303 = arith.constant 0 : i32
        %dma_start3A_304 = tpu.memref_slice %arg9[%dma_start3A_302, %dma_start3A_303] : memref<10240x128xf32, #tpu.memory_space<vmem_shared>> -> memref<10240x128xf32, #tpu.memory_space<vmem_shared>>
        tpu.enqueue_indirect_dma source(%arg13 : memref<80x128xf32, #tpu.memory_space<vmem>>) target(%dma_start3A_304 : memref<10240x128xf32, #tpu.memory_space<vmem_shared>>) offsets(%dma_start3A_301 : memref<80xi32, #tpu.memory_space<vmem>>) semaphore(%run_scoped3A : memref<!tpu.dma_semaphore, #tpu.memory_space<semaphore_mem>>) {add = true}
        %dma_wait3A_305 = tpu.memref_slice %arg12[%mul3A_263] : memref<5120xi32, #tpu.memory_space<vmem>> -> memref<80xi32, #tpu.memory_space<vmem>>
        %dma_wait3A_306 = arith.constant 0 : i32
        %dma_wait3A_307 = arith.constant 0 : i32
        %dma_wait3A_308 = tpu.memref_slice %arg9[%dma_wait3A_306, %dma_wait3A_307] : memref<10240x128xf32, #tpu.memory_space<vmem_shared>> -> memref<10240x128xf32, #tpu.memory_space<vmem_shared>>
        tpu.wait_indirect_dma semaphore(%run_scoped3A : memref<!tpu.dma_semaphore, #tpu.memory_space<semaphore_mem>>) src(%arg13 : memref<80x128xf32, #tpu.memory_space<vmem>>) dst(%dma_wait3A_308 : memref<10240x128xf32, #tpu.memory_space<vmem_shared>>)
        tpu.yield
      }) : () -> ()
      %add3A_264 = arith.constant 2 : i32
      %add3A_265 = arith.addi %mul3A_243, %add3A_264 : i32
      %min3A = arith.constant 63 : i32
      %min3A_266 = arith.minsi %add3A_265, %min3A : i32
      %mul3A_267 = arith.constant 80 : i32
      %mul3A_268 = arith.muli %min3A_266, %mul3A_267 : i32
      %dma_start3A_269 = tpu.memref_slice %arg11[%mul3A_268] : memref<5120xi32, #tpu.memory_space<vmem>> -> memref<80xi32, #tpu.memory_space<vmem>>
      %dma_start3A_270 = arith.constant 0 : i32
      %dma_start3A_271 = arith.constant 0 : i32
      %dma_start3A_272 = tpu.memref_slice %arg2[%dma_start3A_270, %dma_start3A_271] : memref<10000x128xf32, #tpu.memory_space<hbm>> -> memref<10000x128xf32, #tpu.memory_space<hbm>>
      tpu.enqueue_indirect_dma source(%dma_start3A_272 : memref<10000x128xf32, #tpu.memory_space<hbm>>) target(%arg13 : memref<80x128xf32, #tpu.memory_space<vmem>>) offsets(%dma_start3A_269 : memref<80xi32, #tpu.memory_space<vmem>>) semaphore(%arg16 : memref<!tpu.dma_semaphore, #tpu.memory_space<semaphore_mem>>)
      %add3A_273 = arith.constant 1 : i32
      %add3A_274 = arith.addi %mul3A_243, %add3A_273 : i32
      %mul3A_275 = arith.constant 80 : i32
      %mul3A_276 = arith.muli %add3A_274, %mul3A_275 : i32
      %dma_wait3A_277 = tpu.memref_slice %arg11[%mul3A_276] : memref<5120xi32, #tpu.memory_space<vmem>> -> memref<80xi32, #tpu.memory_space<vmem>>
      %dma_wait3A_278 = arith.constant 0 : i32
      %dma_wait3A_279 = arith.constant 0 : i32
      %dma_wait3A_280 = tpu.memref_slice %arg2[%dma_wait3A_278, %dma_wait3A_279] : memref<10000x128xf32, #tpu.memory_space<hbm>> -> memref<10000x128xf32, #tpu.memory_space<hbm>>
      tpu.wait_indirect_dma semaphore(%arg17 : memref<!tpu.dma_semaphore, #tpu.memory_space<semaphore_mem>>) src(%dma_wait3A_280 : memref<10000x128xf32, #tpu.memory_space<hbm>>) dst(%arg14 : memref<80x128xf32, #tpu.memory_space<vmem>>)
      %add3A_281 = arith.constant 1 : i32
      %add3A_282 = arith.addi %mul3A_243, %add3A_281 : i32
      %mul3A_283 = arith.constant 80 : i32
      %mul3A_284 = arith.muli %add3A_282, %mul3A_283 : i32
      "tpu.region"() ({
        %run_scoped3A = tpu.sem_alloc : memref<!tpu.dma_semaphore, #tpu.memory_space<semaphore_mem>>
        %dma_start3A_301 = tpu.memref_slice %arg12[%mul3A_284] : memref<5120xi32, #tpu.memory_space<vmem>> -> memref<80xi32, #tpu.memory_space<vmem>>
        %dma_start3A_302 = arith.constant 0 : i32
        %dma_start3A_303 = arith.constant 0 : i32
        %dma_start3A_304 = tpu.memref_slice %arg9[%dma_start3A_302, %dma_start3A_303] : memref<10240x128xf32, #tpu.memory_space<vmem_shared>> -> memref<10240x128xf32, #tpu.memory_space<vmem_shared>>
        tpu.enqueue_indirect_dma source(%arg14 : memref<80x128xf32, #tpu.memory_space<vmem>>) target(%dma_start3A_304 : memref<10240x128xf32, #tpu.memory_space<vmem_shared>>) offsets(%dma_start3A_301 : memref<80xi32, #tpu.memory_space<vmem>>) semaphore(%run_scoped3A : memref<!tpu.dma_semaphore, #tpu.memory_space<semaphore_mem>>) {add = true}
        %dma_wait3A_305 = tpu.memref_slice %arg12[%mul3A_284] : memref<5120xi32, #tpu.memory_space<vmem>> -> memref<80xi32, #tpu.memory_space<vmem>>
        %dma_wait3A_306 = arith.constant 0 : i32
        %dma_wait3A_307 = arith.constant 0 : i32
        %dma_wait3A_308 = tpu.memref_slice %arg9[%dma_wait3A_306, %dma_wait3A_307] : memref<10240x128xf32, #tpu.memory_space<vmem_shared>> -> memref<10240x128xf32, #tpu.memory_space<vmem_shared>>
        tpu.wait_indirect_dma semaphore(%run_scoped3A : memref<!tpu.dma_semaphore, #tpu.memory_space<semaphore_mem>>) src(%arg14 : memref<80x128xf32, #tpu.memory_space<vmem>>) dst(%dma_wait3A_308 : memref<10240x128xf32, #tpu.memory_space<vmem_shared>>)
        tpu.yield
      }) : () -> ()
      %add3A_285 = arith.constant 3 : i32
      %add3A_286 = arith.addi %mul3A_243, %add3A_285 : i32
      %min3A_287 = arith.constant 63 : i32
      %min3A_288 = arith.minsi %add3A_286, %min3A_287 : i32
      %mul3A_289 = arith.constant 80 : i32
      %mul3A_290 = arith.muli %min3A_288, %mul3A_289 : i32
      %dma_start3A_291 = tpu.memref_slice %arg11[%mul3A_290] : memref<5120xi32, #tpu.memory_space<vmem>> -> memref<80xi32, #tpu.memory_space<vmem>>
      %dma_start3A_292 = arith.constant 0 : i32
      %dma_start3A_293 = arith.constant 0 : i32
      %dma_start3A_294 = tpu.memref_slice %arg2[%dma_start3A_292, %dma_start3A_293] : memref<10000x128xf32, #tpu.memory_space<hbm>> -> memref<10000x128xf32, #tpu.memory_space<hbm>>
      tpu.enqueue_indirect_dma source(%dma_start3A_294 : memref<10000x128xf32, #tpu.memory_space<hbm>>) target(%arg14 : memref<80x128xf32, #tpu.memory_space<vmem>>) offsets(%dma_start3A_291 : memref<80xi32, #tpu.memory_space<vmem>>) semaphore(%arg17 : memref<!tpu.dma_semaphore, #tpu.memory_space<semaphore_mem>>)
      %dma_wait3A_295 = tpu.memref_slice %arg12[%mul3A_245] : memref<5120xi32, #tpu.memory_space<vmem>> -> memref<80xi32, #tpu.memory_space<vmem>>
      %dma_wait3A_296 = arith.constant 0 : i32
      %dma_wait3A_297 = tpu.memref_slice %arg10[%dma_wait3A_296] : memref<10240xf32, #tpu.memory_space<vmem_shared>> -> memref<10240xf32, #tpu.memory_space<vmem_shared>>
      tpu.wait_indirect_dma semaphore(%arg18 : memref<!tpu.dma_semaphore, #tpu.memory_space<semaphore_mem>>) src(%arg15 : memref<80xf32, #tpu.memory_space<vmem>>) dst(%dma_wait3A_297 : memref<10240xf32, #tpu.memory_space<vmem_shared>>)
      %dma_wait3A_298 = tpu.memref_slice %arg12[%mul3A_252] : memref<5120xi32, #tpu.memory_space<vmem>> -> memref<80xi32, #tpu.memory_space<vmem>>
      %dma_wait3A_299 = arith.constant 0 : i32
      %dma_wait3A_300 = tpu.memref_slice %arg10[%dma_wait3A_299] : memref<10240xf32, #tpu.memory_space<vmem_shared>> -> memref<10240xf32, #tpu.memory_space<vmem_shared>>
      tpu.wait_indirect_dma semaphore(%arg18 : memref<!tpu.dma_semaphore, #tpu.memory_space<semaphore_mem>>) src(%arg15 : memref<80xf32, #tpu.memory_space<vmem>>) dst(%dma_wait3A_300 : memref<10240xf32, #tpu.memory_space<vmem_shared>>)
    }
    %scan3A_85 = arith.constant 32 : i32
    %dma_wait3A_86 = arith.constant 5040 : i32
    %dma_wait3A_87 = tpu.memref_slice %arg11[%dma_wait3A_86] : memref<5120xi32, #tpu.memory_space<vmem>> -> memref<80xi32, #tpu.memory_space<vmem>>
    %dma_wait3A_88 = arith.constant 0 : i32
    %dma_wait3A_89 = arith.constant 0 : i32
    %dma_wait3A_90 = tpu.memref_slice %arg2[%dma_wait3A_88, %dma_wait3A_89] : memref<10000x128xf32, #tpu.memory_space<hbm>> -> memref<10000x128xf32, #tpu.memory_space<hbm>>
    tpu.wait_indirect_dma semaphore(%arg16 : memref<!tpu.dma_semaphore, #tpu.memory_space<semaphore_mem>>) src(%dma_wait3A_90 : memref<10000x128xf32, #tpu.memory_space<hbm>>) dst(%arg13 : memref<80x128xf32, #tpu.memory_space<vmem>>)
    %dma_wait3A_91 = arith.constant 5040 : i32
    %dma_wait3A_92 = tpu.memref_slice %arg11[%dma_wait3A_91] : memref<5120xi32, #tpu.memory_space<vmem>> -> memref<80xi32, #tpu.memory_space<vmem>>
    %dma_wait3A_93 = arith.constant 0 : i32
    %dma_wait3A_94 = arith.constant 0 : i32
    %dma_wait3A_95 = tpu.memref_slice %arg2[%dma_wait3A_93, %dma_wait3A_94] : memref<10000x128xf32, #tpu.memory_space<hbm>> -> memref<10000x128xf32, #tpu.memory_space<hbm>>
    tpu.wait_indirect_dma semaphore(%arg17 : memref<!tpu.dma_semaphore, #tpu.memory_space<semaphore_mem>>) src(%dma_wait3A_95 : memref<10000x128xf32, #tpu.memory_space<hbm>>) dst(%arg14 : memref<80x128xf32, #tpu.memory_space<vmem>>)
    %barrier3A_96 = arith.constant 0 : index
    tpu.barrier barrier_id(%barrier3A_96)
    %add3A_97 = arith.constant 0 : i32
    %add3A_98 = arith.addi %mul3A_30, %add3A_97 : i32
    "tpu.region"() ({
      %run_scoped3A = tpu.sem_alloc : memref<!tpu.dma_semaphore, #tpu.memory_space<semaphore_mem>>
      %dma_start3A_241 = arith.constant 0 : i32
      %dma_start3A_242 = tpu.memref_slice %arg9[%add3A_98, %dma_start3A_241] : memref<10240x128xf32, #tpu.memory_space<vmem_shared>> -> memref<80x128xf32, #tpu.memory_space<vmem_shared>>
      %dma_start3A_243 = arith.constant 0 : i32
      %dma_start3A_244 = tpu.memref_slice %arg9[%add3A_98, %dma_start3A_243] : memref<10240x128xf32, #tpu.memory_space<vmem_shared>> -> memref<80x128xf32, #tpu.memory_space<vmem_shared>>
      tpu.enqueue_dma source(%dma_start3A_244 : memref<80x128xf32, #tpu.memory_space<vmem_shared>>) target(%arg13 : memref<80x128xf32, #tpu.memory_space<vmem>>) target_semaphore(%run_scoped3A : memref<!tpu.dma_semaphore, #tpu.memory_space<semaphore_mem>>)
      %dma_wait3A_245 = arith.constant 0 : i32
      %dma_wait3A_246 = tpu.memref_slice %arg9[%add3A_98, %dma_wait3A_245] : memref<10240x128xf32, #tpu.memory_space<vmem_shared>> -> memref<80x128xf32, #tpu.memory_space<vmem_shared>>
      %dma_wait3A_247 = arith.constant 0 : i32
      %dma_wait3A_248 = tpu.memref_slice %arg9[%add3A_98, %dma_wait3A_247] : memref<10240x128xf32, #tpu.memory_space<vmem_shared>> -> memref<80x128xf32, #tpu.memory_space<vmem_shared>>
      tpu.wait_dma2 semaphore(%run_scoped3A : memref<!tpu.dma_semaphore, #tpu.memory_space<semaphore_mem>>) src(%dma_wait3A_248 : memref<80x128xf32, #tpu.memory_space<vmem_shared>>) dst(%arg13 : memref<80x128xf32, #tpu.memory_space<vmem>>)
      tpu.yield
    }) : () -> ()
    %add3A_99 = arith.constant 0 : i32
    %add3A_100 = arith.addi %mul3A_30, %add3A_99 : i32
    %dma_start3A_101 = arith.constant 0 : i32
    %dma_start3A_102 = tpu.memref_slice %arg7[%arg0, %add3A_100, %dma_start3A_101] : memref<2x10240x128xf32, #tpu.memory_space<hbm>> -> memref<1x80x128xf32, #tpu.memory_space<hbm>>
    %dma_start3A_103 = tpu.memref_squeeze %dma_start3A_102 : memref<1x80x128xf32, #tpu.memory_space<hbm>> -> memref<80x128xf32, #tpu.memory_space<hbm>>
    %dma_start3A_104 = arith.constant 0 : i32
    %dma_start3A_105 = tpu.memref_slice %arg7[%arg0, %add3A_100, %dma_start3A_104] : memref<2x10240x128xf32, #tpu.memory_space<hbm>> -> memref<1x80x128xf32, #tpu.memory_space<hbm>>
    %dma_start3A_106 = tpu.memref_squeeze %dma_start3A_105 : memref<1x80x128xf32, #tpu.memory_space<hbm>> -> memref<80x128xf32, #tpu.memory_space<hbm>>
    tpu.enqueue_dma source(%arg13 : memref<80x128xf32, #tpu.memory_space<vmem>>) target(%dma_start3A_106 : memref<80x128xf32, #tpu.memory_space<hbm>>) target_semaphore(%arg16 : memref<!tpu.dma_semaphore, #tpu.memory_space<semaphore_mem>>)
    %add3A_107 = arith.constant 80 : i32
    %add3A_108 = arith.addi %mul3A_30, %add3A_107 : i32
    "tpu.region"() ({
      %run_scoped3A = tpu.sem_alloc : memref<!tpu.dma_semaphore, #tpu.memory_space<semaphore_mem>>
      %dma_start3A_241 = arith.constant 0 : i32
      %dma_start3A_242 = tpu.memref_slice %arg9[%add3A_108, %dma_start3A_241] : memref<10240x128xf32, #tpu.memory_space<vmem_shared>> -> memref<80x128xf32, #tpu.memory_space<vmem_shared>>
      %dma_start3A_243 = arith.constant 0 : i32
      %dma_start3A_244 = tpu.memref_slice %arg9[%add3A_108, %dma_start3A_243] : memref<10240x128xf32, #tpu.memory_space<vmem_shared>> -> memref<80x128xf32, #tpu.memory_space<vmem_shared>>
      tpu.enqueue_dma source(%dma_start3A_244 : memref<80x128xf32, #tpu.memory_space<vmem_shared>>) target(%arg14 : memref<80x128xf32, #tpu.memory_space<vmem>>) target_semaphore(%run_scoped3A : memref<!tpu.dma_semaphore, #tpu.memory_space<semaphore_mem>>)
      %dma_wait3A_245 = arith.constant 0 : i32
      %dma_wait3A_246 = tpu.memref_slice %arg9[%add3A_108, %dma_wait3A_245] : memref<10240x128xf32, #tpu.memory_space<vmem_shared>> -> memref<80x128xf32, #tpu.memory_space<vmem_shared>>
      %dma_wait3A_247 = arith.constant 0 : i32
      %dma_wait3A_248 = tpu.memref_slice %arg9[%add3A_108, %dma_wait3A_247] : memref<10240x128xf32, #tpu.memory_space<vmem_shared>> -> memref<80x128xf32, #tpu.memory_space<vmem_shared>>
      tpu.wait_dma2 semaphore(%run_scoped3A : memref<!tpu.dma_semaphore, #tpu.memory_space<semaphore_mem>>) src(%dma_wait3A_248 : memref<80x128xf32, #tpu.memory_space<vmem_shared>>) dst(%arg14 : memref<80x128xf32, #tpu.memory_space<vmem>>)
      tpu.yield
    }) : () -> ()
    %add3A_109 = arith.constant 80 : i32
    %add3A_110 = arith.addi %mul3A_30, %add3A_109 : i32
    %dma_start3A_111 = arith.constant 0 : i32
    %dma_start3A_112 = tpu.memref_slice %arg7[%arg0, %add3A_110, %dma_start3A_111] : memref<2x10240x128xf32, #tpu.memory_space<hbm>> -> memref<1x80x128xf32, #tpu.memory_space<hbm>>
    %dma_start3A_113 = tpu.memref_squeeze %dma_start3A_112 : memref<1x80x128xf32, #tpu.memory_space<hbm>> -> memref<80x128xf32, #tpu.memory_space<hbm>>
    %dma_start3A_114 = arith.constant 0 : i32
    %dma_start3A_115 = tpu.memref_slice %arg7[%arg0, %add3A_110, %dma_start3A_114] : memref<2x10240x128xf32, #tpu.memory_space<hbm>> -> memref<1x80x128xf32, #tpu.memory_space<hbm>>
    %dma_start3A_116 = tpu.memref_squeeze %dma_start3A_115 : memref<1x80x128xf32, #tpu.memory_space<hbm>> -> memref<80x128xf32, #tpu.memory_space<hbm>>
    tpu.enqueue_dma source(%arg14 : memref<80x128xf32, #tpu.memory_space<vmem>>) target(%dma_start3A_116 : memref<80x128xf32, #tpu.memory_space<hbm>>) target_semaphore(%arg17 : memref<!tpu.dma_semaphore, #tpu.memory_space<semaphore_mem>>)
    %add3A_117 = arith.constant 0 : i32
    %add3A_118 = arith.addi %mul3A_30, %add3A_117 : i32
    %dma_wait3A_119 = arith.constant 0 : i32
    %dma_wait3A_120 = tpu.memref_slice %arg7[%arg0, %add3A_118, %dma_wait3A_119] : memref<2x10240x128xf32, #tpu.memory_space<hbm>> -> memref<1x80x128xf32, #tpu.memory_space<hbm>>
    %dma_wait3A_121 = tpu.memref_squeeze %dma_wait3A_120 : memref<1x80x128xf32, #tpu.memory_space<hbm>> -> memref<80x128xf32, #tpu.memory_space<hbm>>
    %dma_wait3A_122 = arith.constant 0 : i32
    %dma_wait3A_123 = tpu.memref_slice %arg7[%arg0, %add3A_118, %dma_wait3A_122] : memref<2x10240x128xf32, #tpu.memory_space<hbm>> -> memref<1x80x128xf32, #tpu.memory_space<hbm>>
    %dma_wait3A_124 = tpu.memref_squeeze %dma_wait3A_123 : memref<1x80x128xf32, #tpu.memory_space<hbm>> -> memref<80x128xf32, #tpu.memory_space<hbm>>
    tpu.wait_dma2 semaphore(%arg16 : memref<!tpu.dma_semaphore, #tpu.memory_space<semaphore_mem>>) src(%arg13 : memref<80x128xf32, #tpu.memory_space<vmem>>) dst(%dma_wait3A_124 : memref<80x128xf32, #tpu.memory_space<hbm>>)
    %add3A_125 = arith.constant 160 : i32
    %add3A_126 = arith.addi %mul3A_30, %add3A_125 : i32
    "tpu.region"() ({
      %run_scoped3A = tpu.sem_alloc : memref<!tpu.dma_semaphore, #tpu.memory_space<semaphore_mem>>
      %dma_start3A_241 = arith.constant 0 : i32
      %dma_start3A_242 = tpu.memref_slice %arg9[%add3A_126, %dma_start3A_241] : memref<10240x128xf32, #tpu.memory_space<vmem_shared>> -> memref<80x128xf32, #tpu.memory_space<vmem_shared>>
      %dma_start3A_243 = arith.constant 0 : i32
      %dma_start3A_244 = tpu.memref_slice %arg9[%add3A_126, %dma_start3A_243] : memref<10240x128xf32, #tpu.memory_space<vmem_shared>> -> memref<80x128xf32, #tpu.memory_space<vmem_shared>>
      tpu.enqueue_dma source(%dma_start3A_244 : memref<80x128xf32, #tpu.memory_space<vmem_shared>>) target(%arg13 : memref<80x128xf32, #tpu.memory_space<vmem>>) target_semaphore(%run_scoped3A : memref<!tpu.dma_semaphore, #tpu.memory_space<semaphore_mem>>)
      %dma_wait3A_245 = arith.constant 0 : i32
      %dma_wait3A_246 = tpu.memref_slice %arg9[%add3A_126, %dma_wait3A_245] : memref<10240x128xf32, #tpu.memory_space<vmem_shared>> -> memref<80x128xf32, #tpu.memory_space<vmem_shared>>
      %dma_wait3A_247 = arith.constant 0 : i32
      %dma_wait3A_248 = tpu.memref_slice %arg9[%add3A_126, %dma_wait3A_247] : memref<10240x128xf32, #tpu.memory_space<vmem_shared>> -> memref<80x128xf32, #tpu.memory_space<vmem_shared>>
      tpu.wait_dma2 semaphore(%run_scoped3A : memref<!tpu.dma_semaphore, #tpu.memory_space<semaphore_mem>>) src(%dma_wait3A_248 : memref<80x128xf32, #tpu.memory_space<vmem_shared>>) dst(%arg13 : memref<80x128xf32, #tpu.memory_space<vmem>>)
      tpu.yield
    }) : () -> ()
    %add3A_127 = arith.constant 160 : i32
    %add3A_128 = arith.addi %mul3A_30, %add3A_127 : i32
    %dma_start3A_129 = arith.constant 0 : i32
    %dma_start3A_130 = tpu.memref_slice %arg7[%arg0, %add3A_128, %dma_start3A_129] : memref<2x10240x128xf32, #tpu.memory_space<hbm>> -> memref<1x80x128xf32, #tpu.memory_space<hbm>>
    %dma_start3A_131 = tpu.memref_squeeze %dma_start3A_130 : memref<1x80x128xf32, #tpu.memory_space<hbm>> -> memref<80x128xf32, #tpu.memory_space<hbm>>
    %dma_start3A_132 = arith.constant 0 : i32
    %dma_start3A_133 = tpu.memref_slice %arg7[%arg0, %add3A_128, %dma_start3A_132] : memref<2x10240x128xf32, #tpu.memory_space<hbm>> -> memref<1x80x128xf32, #tpu.memory_space<hbm>>
    %dma_start3A_134 = tpu.memref_squeeze %dma_start3A_133 : memref<1x80x128xf32, #tpu.memory_space<hbm>> -> memref<80x128xf32, #tpu.memory_space<hbm>>
    tpu.enqueue_dma source(%arg13 : memref<80x128xf32, #tpu.memory_space<vmem>>) target(%dma_start3A_134 : memref<80x128xf32, #tpu.memory_space<hbm>>) target_semaphore(%arg16 : memref<!tpu.dma_semaphore, #tpu.memory_space<semaphore_mem>>)
    %add3A_135 = arith.constant 80 : i32
    %add3A_136 = arith.addi %mul3A_30, %add3A_135 : i32
    %dma_wait3A_137 = arith.constant 0 : i32
    %dma_wait3A_138 = tpu.memref_slice %arg7[%arg0, %add3A_136, %dma_wait3A_137] : memref<2x10240x128xf32, #tpu.memory_space<hbm>> -> memref<1x80x128xf32, #tpu.memory_space<hbm>>
    %dma_wait3A_139 = tpu.memref_squeeze %dma_wait3A_138 : memref<1x80x128xf32, #tpu.memory_space<hbm>> -> memref<80x128xf32, #tpu.memory_space<hbm>>
    %dma_wait3A_140 = arith.constant 0 : i32
    %dma_wait3A_141 = tpu.memref_slice %arg7[%arg0, %add3A_136, %dma_wait3A_140] : memref<2x10240x128xf32, #tpu.memory_space<hbm>> -> memref<1x80x128xf32, #tpu.memory_space<hbm>>
    %dma_wait3A_142 = tpu.memref_squeeze %dma_wait3A_141 : memref<1x80x128xf32, #tpu.memory_space<hbm>> -> memref<80x128xf32, #tpu.memory_space<hbm>>
    tpu.wait_dma2 semaphore(%arg17 : memref<!tpu.dma_semaphore, #tpu.memory_space<semaphore_mem>>) src(%arg14 : memref<80x128xf32, #tpu.memory_space<vmem>>) dst(%dma_wait3A_142 : memref<80x128xf32, #tpu.memory_space<hbm>>)
    %add3A_143 = arith.constant 240 : i32
    %add3A_144 = arith.addi %mul3A_30, %add3A_143 : i32
    "tpu.region"() ({
      %run_scoped3A = tpu.sem_alloc : memref<!tpu.dma_semaphore, #tpu.memory_space<semaphore_mem>>
      %dma_start3A_241 = arith.constant 0 : i32
      %dma_start3A_242 = tpu.memref_slice %arg9[%add3A_144, %dma_start3A_241] : memref<10240x128xf32, #tpu.memory_space<vmem_shared>> -> memref<80x128xf32, #tpu.memory_space<vmem_shared>>
      %dma_start3A_243 = arith.constant 0 : i32
      %dma_start3A_244 = tpu.memref_slice %arg9[%add3A_144, %dma_start3A_243] : memref<10240x128xf32, #tpu.memory_space<vmem_shared>> -> memref<80x128xf32, #tpu.memory_space<vmem_shared>>
      tpu.enqueue_dma source(%dma_start3A_244 : memref<80x128xf32, #tpu.memory_space<vmem_shared>>) target(%arg14 : memref<80x128xf32, #tpu.memory_space<vmem>>) target_semaphore(%run_scoped3A : memref<!tpu.dma_semaphore, #tpu.memory_space<semaphore_mem>>)
      %dma_wait3A_245 = arith.constant 0 : i32
      %dma_wait3A_246 = tpu.memref_slice %arg9[%add3A_144, %dma_wait3A_245] : memref<10240x128xf32, #tpu.memory_space<vmem_shared>> -> memref<80x128xf32, #tpu.memory_space<vmem_shared>>
      %dma_wait3A_247 = arith.constant 0 : i32
      %dma_wait3A_248 = tpu.memref_slice %arg9[%add3A_144, %dma_wait3A_247] : memref<10240x128xf32, #tpu.memory_space<vmem_shared>> -> memref<80x128xf32, #tpu.memory_space<vmem_shared>>
      tpu.wait_dma2 semaphore(%run_scoped3A : memref<!tpu.dma_semaphore, #tpu.memory_space<semaphore_mem>>) src(%dma_wait3A_248 : memref<80x128xf32, #tpu.memory_space<vmem_shared>>) dst(%arg14 : memref<80x128xf32, #tpu.memory_space<vmem>>)
      tpu.yield
    }) : () -> ()
    %add3A_145 = arith.constant 240 : i32
    %add3A_146 = arith.addi %mul3A_30, %add3A_145 : i32
    %dma_start3A_147 = arith.constant 0 : i32
    %dma_start3A_148 = tpu.memref_slice %arg7[%arg0, %add3A_146, %dma_start3A_147] : memref<2x10240x128xf32, #tpu.memory_space<hbm>> -> memref<1x80x128xf32, #tpu.memory_space<hbm>>
    %dma_start3A_149 = tpu.memref_squeeze %dma_start3A_148 : memref<1x80x128xf32, #tpu.memory_space<hbm>> -> memref<80x128xf32, #tpu.memory_space<hbm>>
    %dma_start3A_150 = arith.constant 0 : i32
    %dma_start3A_151 = tpu.memref_slice %arg7[%arg0, %add3A_146, %dma_start3A_150] : memref<2x10240x128xf32, #tpu.memory_space<hbm>> -> memref<1x80x128xf32, #tpu.memory_space<hbm>>
    %dma_start3A_152 = tpu.memref_squeeze %dma_start3A_151 : memref<1x80x128xf32, #tpu.memory_space<hbm>> -> memref<80x128xf32, #tpu.memory_space<hbm>>
    tpu.enqueue_dma source(%arg14 : memref<80x128xf32, #tpu.memory_space<vmem>>) target(%dma_start3A_152 : memref<80x128xf32, #tpu.memory_space<hbm>>) target_semaphore(%arg17 : memref<!tpu.dma_semaphore, #tpu.memory_space<semaphore_mem>>)
    %add3A_153 = arith.constant 160 : i32
    %add3A_154 = arith.addi %mul3A_30, %add3A_153 : i32
    %dma_wait3A_155 = arith.constant 0 : i32
    %dma_wait3A_156 = tpu.memref_slice %arg7[%arg0, %add3A_154, %dma_wait3A_155] : memref<2x10240x128xf32, #tpu.memory_space<hbm>> -> memref<1x80x128xf32, #tpu.memory_space<hbm>>
    %dma_wait3A_157 = tpu.memref_squeeze %dma_wait3A_156 : memref<1x80x128xf32, #tpu.memory_space<hbm>> -> memref<80x128xf32, #tpu.memory_space<hbm>>
    %dma_wait3A_158 = arith.constant 0 : i32
    %dma_wait3A_159 = tpu.memref_slice %arg7[%arg0, %add3A_154, %dma_wait3A_158] : memref<2x10240x128xf32, #tpu.memory_space<hbm>> -> memref<1x80x128xf32, #tpu.memory_space<hbm>>
    %dma_wait3A_160 = tpu.memref_squeeze %dma_wait3A_159 : memref<1x80x128xf32, #tpu.memory_space<hbm>> -> memref<80x128xf32, #tpu.memory_space<hbm>>
    tpu.wait_dma2 semaphore(%arg16 : memref<!tpu.dma_semaphore, #tpu.memory_space<semaphore_mem>>) src(%arg13 : memref<80x128xf32, #tpu.memory_space<vmem>>) dst(%dma_wait3A_160 : memref<80x128xf32, #tpu.memory_space<hbm>>)
    %add3A_161 = arith.constant 320 : i32
    %add3A_162 = arith.addi %mul3A_30, %add3A_161 : i32
    "tpu.region"() ({
      %run_scoped3A = tpu.sem_alloc : memref<!tpu.dma_semaphore, #tpu.memory_space<semaphore_mem>>
      %dma_start3A_241 = arith.constant 0 : i32
      %dma_start3A_242 = tpu.memref_slice %arg9[%add3A_162, %dma_start3A_241] : memref<10240x128xf32, #tpu.memory_space<vmem_shared>> -> memref<80x128xf32, #tpu.memory_space<vmem_shared>>
      %dma_start3A_243 = arith.constant 0 : i32
      %dma_start3A_244 = tpu.memref_slice %arg9[%add3A_162, %dma_start3A_243] : memref<10240x128xf32, #tpu.memory_space<vmem_shared>> -> memref<80x128xf32, #tpu.memory_space<vmem_shared>>
      tpu.enqueue_dma source(%dma_start3A_244 : memref<80x128xf32, #tpu.memory_space<vmem_shared>>) target(%arg13 : memref<80x128xf32, #tpu.memory_space<vmem>>) target_semaphore(%run_scoped3A : memref<!tpu.dma_semaphore, #tpu.memory_space<semaphore_mem>>)
      %dma_wait3A_245 = arith.constant 0 : i32
      %dma_wait3A_246 = tpu.memref_slice %arg9[%add3A_162, %dma_wait3A_245] : memref<10240x128xf32, #tpu.memory_space<vmem_shared>> -> memref<80x128xf32, #tpu.memory_space<vmem_shared>>
      %dma_wait3A_247 = arith.constant 0 : i32
      %dma_wait3A_248 = tpu.memref_slice %arg9[%add3A_162, %dma_wait3A_247] : memref<10240x128xf32, #tpu.memory_space<vmem_shared>> -> memref<80x128xf32, #tpu.memory_space<vmem_shared>>
      tpu.wait_dma2 semaphore(%run_scoped3A : memref<!tpu.dma_semaphore, #tpu.memory_space<semaphore_mem>>) src(%dma_wait3A_248 : memref<80x128xf32, #tpu.memory_space<vmem_shared>>) dst(%arg13 : memref<80x128xf32, #tpu.memory_space<vmem>>)
      tpu.yield
    }) : () -> ()
    %add3A_163 = arith.constant 320 : i32
    %add3A_164 = arith.addi %mul3A_30, %add3A_163 : i32
    %dma_start3A_165 = arith.constant 0 : i32
    %dma_start3A_166 = tpu.memref_slice %arg7[%arg0, %add3A_164, %dma_start3A_165] : memref<2x10240x128xf32, #tpu.memory_space<hbm>> -> memref<1x80x128xf32, #tpu.memory_space<hbm>>
    %dma_start3A_167 = tpu.memref_squeeze %dma_start3A_166 : memref<1x80x128xf32, #tpu.memory_space<hbm>> -> memref<80x128xf32, #tpu.memory_space<hbm>>
    %dma_start3A_168 = arith.constant 0 : i32
    %dma_start3A_169 = tpu.memref_slice %arg7[%arg0, %add3A_164, %dma_start3A_168] : memref<2x10240x128xf32, #tpu.memory_space<hbm>> -> memref<1x80x128xf32, #tpu.memory_space<hbm>>
    %dma_start3A_170 = tpu.memref_squeeze %dma_start3A_169 : memref<1x80x128xf32, #tpu.memory_space<hbm>> -> memref<80x128xf32, #tpu.memory_space<hbm>>
    tpu.enqueue_dma source(%arg13 : memref<80x128xf32, #tpu.memory_space<vmem>>) target(%dma_start3A_170 : memref<80x128xf32, #tpu.memory_space<hbm>>) target_semaphore(%arg16 : memref<!tpu.dma_semaphore, #tpu.memory_space<semaphore_mem>>)
    %add3A_171 = arith.constant 240 : i32
    %add3A_172 = arith.addi %mul3A_30, %add3A_171 : i32
    %dma_wait3A_173 = arith.constant 0 : i32
    %dma_wait3A_174 = tpu.memref_slice %arg7[%arg0, %add3A_172, %dma_wait3A_173] : memref<2x10240x128xf32, #tpu.memory_space<hbm>> -> memref<1x80x128xf32, #tpu.memory_space<hbm>>
    %dma_wait3A_175 = tpu.memref_squeeze %dma_wait3A_174 : memref<1x80x128xf32, #tpu.memory_space<hbm>> -> memref<80x128xf32, #tpu.memory_space<hbm>>
    %dma_wait3A_176 = arith.constant 0 : i32
    %dma_wait3A_177 = tpu.memref_slice %arg7[%arg0, %add3A_172, %dma_wait3A_176] : memref<2x10240x128xf32, #tpu.memory_space<hbm>> -> memref<1x80x128xf32, #tpu.memory_space<hbm>>
    %dma_wait3A_178 = tpu.memref_squeeze %dma_wait3A_177 : memref<1x80x128xf32, #tpu.memory_space<hbm>> -> memref<80x128xf32, #tpu.memory_space<hbm>>
    tpu.wait_dma2 semaphore(%arg17 : memref<!tpu.dma_semaphore, #tpu.memory_space<semaphore_mem>>) src(%arg14 : memref<80x128xf32, #tpu.memory_space<vmem>>) dst(%dma_wait3A_178 : memref<80x128xf32, #tpu.memory_space<hbm>>)
    %add3A_179 = arith.constant 400 : i32
    %add3A_180 = arith.addi %mul3A_30, %add3A_179 : i32
    "tpu.region"() ({
      %run_scoped3A = tpu.sem_alloc : memref<!tpu.dma_semaphore, #tpu.memory_space<semaphore_mem>>
      %dma_start3A_241 = arith.constant 0 : i32
      %dma_start3A_242 = tpu.memref_slice %arg9[%add3A_180, %dma_start3A_241] : memref<10240x128xf32, #tpu.memory_space<vmem_shared>> -> memref<80x128xf32, #tpu.memory_space<vmem_shared>>
      %dma_start3A_243 = arith.constant 0 : i32
      %dma_start3A_244 = tpu.memref_slice %arg9[%add3A_180, %dma_start3A_243] : memref<10240x128xf32, #tpu.memory_space<vmem_shared>> -> memref<80x128xf32, #tpu.memory_space<vmem_shared>>
      tpu.enqueue_dma source(%dma_start3A_244 : memref<80x128xf32, #tpu.memory_space<vmem_shared>>) target(%arg14 : memref<80x128xf32, #tpu.memory_space<vmem>>) target_semaphore(%run_scoped3A : memref<!tpu.dma_semaphore, #tpu.memory_space<semaphore_mem>>)
      %dma_wait3A_245 = arith.constant 0 : i32
      %dma_wait3A_246 = tpu.memref_slice %arg9[%add3A_180, %dma_wait3A_245] : memref<10240x128xf32, #tpu.memory_space<vmem_shared>> -> memref<80x128xf32, #tpu.memory_space<vmem_shared>>
      %dma_wait3A_247 = arith.constant 0 : i32
      %dma_wait3A_248 = tpu.memref_slice %arg9[%add3A_180, %dma_wait3A_247] : memref<10240x128xf32, #tpu.memory_space<vmem_shared>> -> memref<80x128xf32, #tpu.memory_space<vmem_shared>>
      tpu.wait_dma2 semaphore(%run_scoped3A : memref<!tpu.dma_semaphore, #tpu.memory_space<semaphore_mem>>) src(%dma_wait3A_248 : memref<80x128xf32, #tpu.memory_space<vmem_shared>>) dst(%arg14 : memref<80x128xf32, #tpu.memory_space<vmem>>)
      tpu.yield
    }) : () -> ()
    %add3A_181 = arith.constant 400 : i32
    %add3A_182 = arith.addi %mul3A_30, %add3A_181 : i32
    %dma_start3A_183 = arith.constant 0 : i32
    %dma_start3A_184 = tpu.memref_slice %arg7[%arg0, %add3A_182, %dma_start3A_183] : memref<2x10240x128xf32, #tpu.memory_space<hbm>> -> memref<1x80x128xf32, #tpu.memory_space<hbm>>
    %dma_start3A_185 = tpu.memref_squeeze %dma_start3A_184 : memref<1x80x128xf32, #tpu.memory_space<hbm>> -> memref<80x128xf32, #tpu.memory_space<hbm>>
    %dma_start3A_186 = arith.constant 0 : i32
    %dma_start3A_187 = tpu.memref_slice %arg7[%arg0, %add3A_182, %dma_start3A_186] : memref<2x10240x128xf32, #tpu.memory_space<hbm>> -> memref<1x80x128xf32, #tpu.memory_space<hbm>>
    %dma_start3A_188 = tpu.memref_squeeze %dma_start3A_187 : memref<1x80x128xf32, #tpu.memory_space<hbm>> -> memref<80x128xf32, #tpu.memory_space<hbm>>
    tpu.enqueue_dma source(%arg14 : memref<80x128xf32, #tpu.memory_space<vmem>>) target(%dma_start3A_188 : memref<80x128xf32, #tpu.memory_space<hbm>>) target_semaphore(%arg17 : memref<!tpu.dma_semaphore, #tpu.memory_space<semaphore_mem>>)
    %add3A_189 = arith.constant 320 : i32
    %add3A_190 = arith.addi %mul3A_30, %add3A_189 : i32
    %dma_wait3A_191 = arith.constant 0 : i32
    %dma_wait3A_192 = tpu.memref_slice %arg7[%arg0, %add3A_190, %dma_wait3A_191] : memref<2x10240x128xf32, #tpu.memory_space<hbm>> -> memref<1x80x128xf32, #tpu.memory_space<hbm>>
    %dma_wait3A_193 = tpu.memref_squeeze %dma_wait3A_192 : memref<1x80x128xf32, #tpu.memory_space<hbm>> -> memref<80x128xf32, #tpu.memory_space<hbm>>
    %dma_wait3A_194 = arith.constant 0 : i32
    %dma_wait3A_195 = tpu.memref_slice %arg7[%arg0, %add3A_190, %dma_wait3A_194] : memref<2x10240x128xf32, #tpu.memory_space<hbm>> -> memref<1x80x128xf32, #tpu.memory_space<hbm>>
    %dma_wait3A_196 = tpu.memref_squeeze %dma_wait3A_195 : memref<1x80x128xf32, #tpu.memory_space<hbm>> -> memref<80x128xf32, #tpu.memory_space<hbm>>
    tpu.wait_dma2 semaphore(%arg16 : memref<!tpu.dma_semaphore, #tpu.memory_space<semaphore_mem>>) src(%arg13 : memref<80x128xf32, #tpu.memory_space<vmem>>) dst(%dma_wait3A_196 : memref<80x128xf32, #tpu.memory_space<hbm>>)
    %add3A_197 = arith.constant 480 : i32
    %add3A_198 = arith.addi %mul3A_30, %add3A_197 : i32
    "tpu.region"() ({
      %run_scoped3A = tpu.sem_alloc : memref<!tpu.dma_semaphore, #tpu.memory_space<semaphore_mem>>
      %dma_start3A_241 = arith.constant 0 : i32
      %dma_start3A_242 = tpu.memref_slice %arg9[%add3A_198, %dma_start3A_241] : memref<10240x128xf32, #tpu.memory_space<vmem_shared>> -> memref<80x128xf32, #tpu.memory_space<vmem_shared>>
      %dma_start3A_243 = arith.constant 0 : i32
      %dma_start3A_244 = tpu.memref_slice %arg9[%add3A_198, %dma_start3A_243] : memref<10240x128xf32, #tpu.memory_space<vmem_shared>> -> memref<80x128xf32, #tpu.memory_space<vmem_shared>>
      tpu.enqueue_dma source(%dma_start3A_244 : memref<80x128xf32, #tpu.memory_space<vmem_shared>>) target(%arg13 : memref<80x128xf32, #tpu.memory_space<vmem>>) target_semaphore(%run_scoped3A : memref<!tpu.dma_semaphore, #tpu.memory_space<semaphore_mem>>)
      %dma_wait3A_245 = arith.constant 0 : i32
      %dma_wait3A_246 = tpu.memref_slice %arg9[%add3A_198, %dma_wait3A_245] : memref<10240x128xf32, #tpu.memory_space<vmem_shared>> -> memref<80x128xf32, #tpu.memory_space<vmem_shared>>
      %dma_wait3A_247 = arith.constant 0 : i32
      %dma_wait3A_248 = tpu.memref_slice %arg9[%add3A_198, %dma_wait3A_247] : memref<10240x128xf32, #tpu.memory_space<vmem_shared>> -> memref<80x128xf32, #tpu.memory_space<vmem_shared>>
      tpu.wait_dma2 semaphore(%run_scoped3A : memref<!tpu.dma_semaphore, #tpu.memory_space<semaphore_mem>>) src(%dma_wait3A_248 : memref<80x128xf32, #tpu.memory_space<vmem_shared>>) dst(%arg13 : memref<80x128xf32, #tpu.memory_space<vmem>>)
      tpu.yield
    }) : () -> ()
    %add3A_199 = arith.constant 480 : i32
    %add3A_200 = arith.addi %mul3A_30, %add3A_199 : i32
    %dma_start3A_201 = arith.constant 0 : i32
    %dma_start3A_202 = tpu.memref_slice %arg7[%arg0, %add3A_200, %dma_start3A_201] : memref<2x10240x128xf32, #tpu.memory_space<hbm>> -> memref<1x80x128xf32, #tpu.memory_space<hbm>>
    %dma_start3A_203 = tpu.memref_squeeze %dma_start3A_202 : memref<1x80x128xf32, #tpu.memory_space<hbm>> -> memref<80x128xf32, #tpu.memory_space<hbm>>
    %dma_start3A_204 = arith.constant 0 : i32
    %dma_start3A_205 = tpu.memref_slice %arg7[%arg0, %add3A_200, %dma_start3A_204] : memref<2x10240x128xf32, #tpu.memory_space<hbm>> -> memref<1x80x128xf32, #tpu.memory_space<hbm>>
    %dma_start3A_206 = tpu.memref_squeeze %dma_start3A_205 : memref<1x80x128xf32, #tpu.memory_space<hbm>> -> memref<80x128xf32, #tpu.memory_space<hbm>>
    tpu.enqueue_dma source(%arg13 : memref<80x128xf32, #tpu.memory_space<vmem>>) target(%dma_start3A_206 : memref<80x128xf32, #tpu.memory_space<hbm>>) target_semaphore(%arg16 : memref<!tpu.dma_semaphore, #tpu.memory_space<semaphore_mem>>)
    %add3A_207 = arith.constant 400 : i32
    %add3A_208 = arith.addi %mul3A_30, %add3A_207 : i32
    %dma_wait3A_209 = arith.constant 0 : i32
    %dma_wait3A_210 = tpu.memref_slice %arg7[%arg0, %add3A_208, %dma_wait3A_209] : memref<2x10240x128xf32, #tpu.memory_space<hbm>> -> memref<1x80x128xf32, #tpu.memory_space<hbm>>
    %dma_wait3A_211 = tpu.memref_squeeze %dma_wait3A_210 : memref<1x80x128xf32, #tpu.memory_space<hbm>> -> memref<80x128xf32, #tpu.memory_space<hbm>>
    %dma_wait3A_212 = arith.constant 0 : i32
    %dma_wait3A_213 = tpu.memref_slice %arg7[%arg0, %add3A_208, %dma_wait3A_212] : memref<2x10240x128xf32, #tpu.memory_space<hbm>> -> memref<1x80x128xf32, #tpu.memory_space<hbm>>
    %dma_wait3A_214 = tpu.memref_squeeze %dma_wait3A_213 : memref<1x80x128xf32, #tpu.memory_space<hbm>> -> memref<80x128xf32, #tpu.memory_space<hbm>>
    tpu.wait_dma2 semaphore(%arg17 : memref<!tpu.dma_semaphore, #tpu.memory_space<semaphore_mem>>) src(%arg14 : memref<80x128xf32, #tpu.memory_space<vmem>>) dst(%dma_wait3A_214 : memref<80x128xf32, #tpu.memory_space<hbm>>)
    %add3A_215 = arith.constant 560 : i32
    %add3A_216 = arith.addi %mul3A_30, %add3A_215 : i32
    "tpu.region"() ({
      %run_scoped3A = tpu.sem_alloc : memref<!tpu.dma_semaphore, #tpu.memory_space<semaphore_mem>>
      %dma_start3A_241 = arith.constant 0 : i32
      %dma_start3A_242 = tpu.memref_slice %arg9[%add3A_216, %dma_start3A_241] : memref<10240x128xf32, #tpu.memory_space<vmem_shared>> -> memref<80x128xf32, #tpu.memory_space<vmem_shared>>
      %dma_start3A_243 = arith.constant 0 : i32
      %dma_start3A_244 = tpu.memref_slice %arg9[%add3A_216, %dma_start3A_243] : memref<10240x128xf32, #tpu.memory_space<vmem_shared>> -> memref<80x128xf32, #tpu.memory_space<vmem_shared>>
      tpu.enqueue_dma source(%dma_start3A_244 : memref<80x128xf32, #tpu.memory_space<vmem_shared>>) target(%arg14 : memref<80x128xf32, #tpu.memory_space<vmem>>) target_semaphore(%run_scoped3A : memref<!tpu.dma_semaphore, #tpu.memory_space<semaphore_mem>>)
      %dma_wait3A_245 = arith.constant 0 : i32
      %dma_wait3A_246 = tpu.memref_slice %arg9[%add3A_216, %dma_wait3A_245] : memref<10240x128xf32, #tpu.memory_space<vmem_shared>> -> memref<80x128xf32, #tpu.memory_space<vmem_shared>>
      %dma_wait3A_247 = arith.constant 0 : i32
      %dma_wait3A_248 = tpu.memref_slice %arg9[%add3A_216, %dma_wait3A_247] : memref<10240x128xf32, #tpu.memory_space<vmem_shared>> -> memref<80x128xf32, #tpu.memory_space<vmem_shared>>
      tpu.wait_dma2 semaphore(%run_scoped3A : memref<!tpu.dma_semaphore, #tpu.memory_space<semaphore_mem>>) src(%dma_wait3A_248 : memref<80x128xf32, #tpu.memory_space<vmem_shared>>) dst(%arg14 : memref<80x128xf32, #tpu.memory_space<vmem>>)
      tpu.yield
    }) : () -> ()
    %add3A_217 = arith.constant 560 : i32
    %add3A_218 = arith.addi %mul3A_30, %add3A_217 : i32
    %dma_start3A_219 = arith.constant 0 : i32
    %dma_start3A_220 = tpu.memref_slice %arg7[%arg0, %add3A_218, %dma_start3A_219] : memref<2x10240x128xf32, #tpu.memory_space<hbm>> -> memref<1x80x128xf32, #tpu.memory_space<hbm>>
    %dma_start3A_221 = tpu.memref_squeeze %dma_start3A_220 : memref<1x80x128xf32, #tpu.memory_space<hbm>> -> memref<80x128xf32, #tpu.memory_space<hbm>>
    %dma_start3A_222 = arith.constant 0 : i32
    %dma_start3A_223 = tpu.memref_slice %arg7[%arg0, %add3A_218, %dma_start3A_222] : memref<2x10240x128xf32, #tpu.memory_space<hbm>> -> memref<1x80x128xf32, #tpu.memory_space<hbm>>
    %dma_start3A_224 = tpu.memref_squeeze %dma_start3A_223 : memref<1x80x128xf32, #tpu.memory_space<hbm>> -> memref<80x128xf32, #tpu.memory_space<hbm>>
    tpu.enqueue_dma source(%arg14 : memref<80x128xf32, #tpu.memory_space<vmem>>) target(%dma_start3A_224 : memref<80x128xf32, #tpu.memory_space<hbm>>) target_semaphore(%arg17 : memref<!tpu.dma_semaphore, #tpu.memory_space<semaphore_mem>>)
    %add3A_225 = arith.constant 480 : i32
    %add3A_226 = arith.addi %mul3A_30, %add3A_225 : i32
    %dma_wait3A_227 = arith.constant 0 : i32
    %dma_wait3A_228 = tpu.memref_slice %arg7[%arg0, %add3A_226, %dma_wait3A_227] : memref<2x10240x128xf32, #tpu.memory_space<hbm>> -> memref<1x80x128xf32, #tpu.memory_space<hbm>>
    %dma_wait3A_229 = tpu.memref_squeeze %dma_wait3A_228 : memref<1x80x128xf32, #tpu.memory_space<hbm>> -> memref<80x128xf32, #tpu.memory_space<hbm>>
    %dma_wait3A_230 = arith.constant 0 : i32
    %dma_wait3A_231 = tpu.memref_slice %arg7[%arg0, %add3A_226, %dma_wait3A_230] : memref<2x10240x128xf32, #tpu.memory_space<hbm>> -> memref<1x80x128xf32, #tpu.memory_space<hbm>>
    %dma_wait3A_232 = tpu.memref_squeeze %dma_wait3A_231 : memref<1x80x128xf32, #tpu.memory_space<hbm>> -> memref<80x128xf32, #tpu.memory_space<hbm>>
    tpu.wait_dma2 semaphore(%arg16 : memref<!tpu.dma_semaphore, #tpu.memory_space<semaphore_mem>>) src(%arg13 : memref<80x128xf32, #tpu.memory_space<vmem>>) dst(%dma_wait3A_232 : memref<80x128xf32, #tpu.memory_space<hbm>>)
    %add3A_233 = arith.constant 560 : i32
    %add3A_234 = arith.addi %mul3A_30, %add3A_233 : i32
    %dma_wait3A_235 = arith.constant 0 : i32
    %dma_wait3A_236 = tpu.memref_slice %arg7[%arg0, %add3A_234, %dma_wait3A_235] : memref<2x10240x128xf32, #tpu.memory_space<hbm>> -> memref<1x80x128xf32, #tpu.memory_space<hbm>>
    %dma_wait3A_237 = tpu.memref_squeeze %dma_wait3A_236 : memref<1x80x128xf32, #tpu.memory_space<hbm>> -> memref<80x128xf32, #tpu.memory_space<hbm>>
    %dma_wait3A_238 = arith.constant 0 : i32
    %dma_wait3A_239 = tpu.memref_slice %arg7[%arg0, %add3A_234, %dma_wait3A_238] : memref<2x10240x128xf32, #tpu.memory_space<hbm>> -> memref<1x80x128xf32, #tpu.memory_space<hbm>>
    %dma_wait3A_240 = tpu.memref_squeeze %dma_wait3A_239 : memref<1x80x128xf32, #tpu.memory_space<hbm>> -> memref<80x128xf32, #tpu.memory_space<hbm>>
    tpu.wait_dma2 semaphore(%arg17 : memref<!tpu.dma_semaphore, #tpu.memory_space<semaphore_mem>>) src(%arg14 : memref<80x128xf32, #tpu.memory_space<vmem>>) dst(%dma_wait3A_240 : memref<80x128xf32, #tpu.memory_space<hbm>>)
    "tpu.region"() ({
      %run_scoped3A = tpu.sem_alloc : memref<!tpu.dma_semaphore, #tpu.memory_space<semaphore_mem>>
      %dma_start3A_241 = tpu.memref_slice %arg8[%arg0, %mul3A_30] : memref<2x10240xf32, #tpu.memory_space<hbm>> -> memref<1x640xf32, #tpu.memory_space<hbm>>
      %dma_start3A_242 = tpu.memref_squeeze %dma_start3A_241 : memref<1x640xf32, #tpu.memory_space<hbm>> -> memref<640xf32, #tpu.memory_space<hbm>>
      %dma_start3A_243 = tpu.memref_slice %arg10[%mul3A_30] : memref<10240xf32, #tpu.memory_space<vmem_shared>> -> memref<640xf32, #tpu.memory_space<vmem_shared>>
      tpu.enqueue_dma source(%dma_start3A_243 : memref<640xf32, #tpu.memory_space<vmem_shared>>) target(%dma_start3A_242 : memref<640xf32, #tpu.memory_space<hbm>>) target_semaphore(%run_scoped3A : memref<!tpu.dma_semaphore, #tpu.memory_space<semaphore_mem>>)
      %dma_wait3A_244 = tpu.memref_slice %arg8[%arg0, %mul3A_30] : memref<2x10240xf32, #tpu.memory_space<hbm>> -> memref<1x640xf32, #tpu.memory_space<hbm>>
      %dma_wait3A_245 = tpu.memref_squeeze %dma_wait3A_244 : memref<1x640xf32, #tpu.memory_space<hbm>> -> memref<640xf32, #tpu.memory_space<hbm>>
      %dma_wait3A_246 = tpu.memref_slice %arg10[%mul3A_30] : memref<10240xf32, #tpu.memory_space<vmem_shared>> -> memref<640xf32, #tpu.memory_space<vmem_shared>>
      tpu.wait_dma2 semaphore(%run_scoped3A : memref<!tpu.dma_semaphore, #tpu.memory_space<semaphore_mem>>) src(%dma_wait3A_246 : memref<640xf32, #tpu.memory_space<vmem_shared>>) dst(%dma_wait3A_245 : memref<640xf32, #tpu.memory_space<hbm>>)
      tpu.yield
    }) : () -> ()
    return
  }
}

module attributes {stable_mosaic.version = 14 : i64} {
  func.func @_tc_body(%arg0: i32, %arg1: memref<2x1000x128xf32, #tpu.memory_space<vmem>>, %arg2: memref<2x1000x1xf32, #tpu.memory_space<vmem>>, %arg3: memref<1000x128xf32, #tpu.memory_space<vmem>>, %arg4: memref<128x128xf32, #tpu.memory_space<vmem>>, %arg5: memref<128x128xf32, #tpu.memory_space<vmem>>, %arg6: memref<1000x128xf32, #tpu.memory_space<vmem>>) attributes {dimension_semantics = [#tpu.dimension_semantics<arbitrary>], iteration_bounds = array<i64: 10>, scalar_prefetch = 0 : i64, scratch_operands = 0 : i64, tpu.core_type = #tpu.core_type<tc>, window_params = [{transform_indices = @transform_0, window_bounds = array<i64: 2, 1000, 128>}, {transform_indices = @transform_1, window_bounds = array<i64: 2, 1000, 1>}, {transform_indices = @transform_2, window_bounds = array<i64: 1000, 128>}, {pipeline_mode = #tpu.pipeline_mode<synchronous>, transform_indices = @transform_3, window_bounds = array<i64: 128, 128>}, {pipeline_mode = #tpu.pipeline_mode<synchronous>, transform_indices = @transform_4, window_bounds = array<i64: 128, 128>}, {transform_indices = @transform_5, window_bounds = array<i64: 1000, 128>}]} {
    %get3A = arith.constant 0 : index
    %get3A_0 = arith.constant 0 : index
    %get3A_1 = arith.constant 0 : index
    %get3A_2 = vector.load %arg1[%get3A, %get3A_0, %get3A_1] : memref<2x1000x128xf32, #tpu.memory_space<vmem>>, vector<1x1000x128xf32>
    %get3A_3 = vector.shape_cast %get3A_2 : vector<1x1000x128xf32> to vector<1000x128xf32>
    %get3A_4 = arith.constant 1 : index
    %get3A_5 = arith.constant 0 : index
    %get3A_6 = arith.constant 0 : index
    %get3A_7 = vector.load %arg1[%get3A_4, %get3A_5, %get3A_6] : memref<2x1000x128xf32, #tpu.memory_space<vmem>>, vector<1x1000x128xf32>
    %get3A_8 = vector.shape_cast %get3A_7 : vector<1x1000x128xf32> to vector<1000x128xf32>
    %add3A = arith.addf %get3A_3, %get3A_8 : vector<1000x128xf32>
    %get3A_9 = arith.constant 0 : index
    %get3A_10 = arith.constant 0 : index
    %get3A_11 = arith.constant 0 : index
    %get3A_12 = vector.load %arg2[%get3A_9, %get3A_10, %get3A_11] : memref<2x1000x1xf32, #tpu.memory_space<vmem>>, vector<1x1000x1xf32>
    %get3A_13 = vector.shape_cast %get3A_12 : vector<1x1000x1xf32> to vector<1000x1xf32>
    %get3A_14 = arith.constant 1 : index
    %get3A_15 = arith.constant 0 : index
    %get3A_16 = arith.constant 0 : index
    %get3A_17 = vector.load %arg2[%get3A_14, %get3A_15, %get3A_16] : memref<2x1000x1xf32, #tpu.memory_space<vmem>>, vector<1x1000x1xf32>
    %get3A_18 = vector.shape_cast %get3A_17 : vector<1x1000x1xf32> to vector<1000x1xf32>
    %add3A_19 = arith.addf %get3A_13, %get3A_18 : vector<1000x1xf32>
    %max3A = arith.constant 1.000000e+00 : f32
    %max3A_20 = vector.broadcast %max3A : f32 to vector<1000x1xf32>
    %max3A_21 = arith.maximumf %add3A_19, %max3A_20 : vector<1000x1xf32>
    %div3A = vector.broadcast %max3A_21 : vector<1000x1xf32> to vector<1000x128xf32>
    %div3A_22 = arith.divf %add3A, %div3A : vector<1000x128xf32>
    %get3A_23 = arith.constant 0 : index
    %get3A_24 = arith.constant 0 : index
    %get3A_25 = vector.load %arg4[%get3A_23, %get3A_24] : memref<128x128xf32, #tpu.memory_space<vmem>>, vector<128x128xf32>
    %dot_general3A = arith.constant dense<0.000000e+00> : vector<1000x128xf32>
    %dot_general3A_26 = tpu.matmul %div3A_22, %get3A_25, %dot_general3A {dimension_numbers = #tpu.dot_dimension_numbers<[1], [1], [0], [0], [0, 0, 1, 0], [], []>, transpose_lhs_hint = false} : vector<1000x128xf32>, vector<128x128xf32>, vector<1000x128xf32> -> vector<1000x128xf32>
    %get3A_27 = arith.constant 0 : index
    %get3A_28 = arith.constant 0 : index
    %get3A_29 = vector.load %arg3[%get3A_27, %get3A_28] : memref<1000x128xf32, #tpu.memory_space<vmem>>, vector<1000x128xf32>
    %get3A_30 = arith.constant 0 : index
    %get3A_31 = arith.constant 0 : index
    %get3A_32 = vector.load %arg5[%get3A_30, %get3A_31] : memref<128x128xf32, #tpu.memory_space<vmem>>, vector<128x128xf32>
    %dot_general3A_33 = arith.constant dense<0.000000e+00> : vector<1000x128xf32>
    %dot_general3A_34 = tpu.matmul %get3A_29, %get3A_32, %dot_general3A_33 {dimension_numbers = #tpu.dot_dimension_numbers<[1], [1], [0], [0], [0, 0, 1, 0], [], []>, transpose_lhs_hint = false} : vector<1000x128xf32>, vector<128x128xf32>, vector<1000x128xf32> -> vector<1000x128xf32>
    %add3A_35 = arith.addf %dot_general3A_26, %dot_general3A_34 : vector<1000x128xf32>
    %swap3A = arith.constant 0 : index
    %swap3A_36 = arith.constant 0 : index
    %swap3A_37 = vector.load %arg6[%swap3A, %swap3A_36] : memref<1000x128xf32, #tpu.memory_space<vmem>>, vector<1000x128xf32>
    tpu.vector_store %arg6[%swap3A, %swap3A_36], %add3A_35 {strides = array<i32>} : memref<1000x128xf32, #tpu.memory_space<vmem>>, vector<1000x128xf32>,
    return
  }
  func.func @transform_0(%arg0: i32) -> (i32, i32, i32) {
    %c0_i32 = arith.constant 0 : i32
    %c0_i32_0 = arith.constant 0 : i32
    %c0_i32_1 = arith.constant 0 : i32
    return %c0_i32, %arg0, %c0_i32_0 : i32, i32, i32
  }
  func.func @transform_1(%arg0: i32) -> (i32, i32, i32) {
    %c0_i32 = arith.constant 0 : i32
    %c0_i32_0 = arith.constant 0 : i32
    %c0_i32_1 = arith.constant 0 : i32
    return %c0_i32, %arg0, %c0_i32_0 : i32, i32, i32
  }
  func.func @transform_2(%arg0: i32) -> (i32, i32) {
    %c0_i32 = arith.constant 0 : i32
    %c0_i32_0 = arith.constant 0 : i32
    return %arg0, %c0_i32 : i32, i32
  }
  func.func @transform_3(%arg0: i32) -> (i32, i32) {
    %c0_i32 = arith.constant 0 : i32
    %c0_i32_0 = arith.constant 0 : i32
    %c0_i32_1 = arith.constant 0 : i32
    return %c0_i32, %c0_i32_0 : i32, i32
  }
  func.func @transform_4(%arg0: i32) -> (i32, i32) {
    %c0_i32 = arith.constant 0 : i32
    %c0_i32_0 = arith.constant 0 : i32
    %c0_i32_1 = arith.constant 0 : i32
    return %c0_i32, %c0_i32_0 : i32, i32
  }
  func.func @transform_5(%arg0: i32) -> (i32, i32) {
    %c0_i32 = arith.constant 0 : i32
    %c0_i32_0 = arith.constant 0 : i32
    return %arg0, %c0_i32 : i32, i32
  }
}

</mosaic_0001>

<sc_bundles>
// kernel: kernel.4.cloned.1.call-start
scs
__scs_entry_jumppad:
0x0: {  	(pc) =	sbr.rel $0x88, $3  }
0x1: {  	(tag) =	ssettag $0x0;
	lr =	simm.s32 $0x1  }
0x2: {  	[smem:$0x3F9D] =	sst lr;
	_ =	strace $0xD0000000  }
0x3: {  	_ = 	snop  }
0x4: {  	_ = 	snop  }
0x5: {  	_ = 	snop  }
0x6: {  	_ = 	snop  }
0x7: {  	_ = 	snop  }
__scs_overlays_trampoline_lowered:
0x8: {  	[smem:$0x3FAC] =	sst s0  }
0x9: {  	[smem:$0x3FAD] =	sst s1  }
0xa: {  	[smem:$0x3FAE] =	sst s2  }
0xb: {  	[smem:$0x3FAF] =	sst s3  }
0xc: {  	[smem:$0x3FB0] =	sst s4  }
0xd: {  	[smem:$0x3FB1] =	sst s5  }
0xe: {  	[smem:$0x3FB2] =	sst s6  }
0xf: {  	[smem:$0x3FB3] =	sst s7  }
0x10: {  	[smem:$0x3FB4] =	sst s8  }
0x11: {  	[smem:$0x3FB5] =	sst s9;
	s0 =	simm.s32 @!p0 $0x0  }
0x12: {  	s1 =	sld [smem:$0x3F9B];
	s0 =	simm.s32 @p0 $0x1  }
0x13: {  	[smem:$0x3FB6] =	sst s0;
	s0 =	simm.s32 @!p1 $0x0  }
0x14: {  	s2 =	sld [smem:$0x3F9A];
	s0 =	simm.s32 @p1 $0x1  }
0x15: {  	[smem:$0x3FB7] =	sst s0;
	s0 =	simm.s32 @!p2 $0x0  }
0x16: {  	s3 =	sld [smem:$0x3FDB];
	s0 =	simm.s32 @p2 $0x1  }
0x17: {  	s4 =	simm.s32 $0x1BF5;
	[smem:$0x3FB9] =	sst s0  }
0x18: {  	s0 =	sld [smem:$0x3F9C];
	_ =	swait.ge [sflag:s4], $0x0  }
0x19: {  	s7 =	sld [smem:$0x3F9D]  }
0x1a: {  	s8 =	sadd.s32 $0xFFFFE003, lr  }
0x1b: {  	s9 =	sadd.s32 $0xFFFFFEF7, lr;
	s5 =	simm.s32 $0xFFFFFFFF;
	p2 =	slt.u32 s8, $0xFFFFF086  }
0x1c: {  	p1 =	slt.u32 s9, $0xF7A;
	s5 =	simm.s32 @!p2 $0x0  }
0x1d: {  	s5 =	simm.s32 @p1 $0x1;
	p0 =	seq.s32 s7, s2  }
0x1e: {  	s7 =	smul.u32 @!p0 $0xF7A, s2;
	p2 =	seq.s32 @!p0 s5, $0x0  }
0x1f: {  	s9 =	smul.u32 $0xF7A, s1;
	s8 =	simm.s32 @!p0 $0x1BF5;
	p2 =	por !p2, p0  }
0x20: {  	[sflag:s8] =	ssyncset.s32 @!p0 $0xFFFFF086;
	s6 =	sadd.s32 @!p0 s3, s7;
	s7 =	simm.s32 @!p0 $0x108  }
0x21: {  	s3 =	sadd.s32 s3, s9;
	s6 =	sadd.s32 @!p0 $0x88, s6;
	s7 =	simm.s32 @p2 $0x1082  }
0x22: {  	[simem:s7], [sflag:s8] =	dma.local @!p0 [hbm:s6], $0xF7A  }
0x23: {  	s9 =	sor.u32 $0xD0000000, s2;
	s6 =	simm.s32 $0x108;
	_ =	swait.ge @!p0 [sflag:s8], $0x0  }
0x24: {  	s3 =	sadd.s32 $0x88, s3;
	s6 =	simm.s32 @!p1 $0x1082;
	[sflag:s4] =	ssyncset.s32 $0xFFFFF086  }
0x25: {  	[simem:s6], [sflag:s4] =	dma.local [hbm:s3], $0xF7A  }
0x26: {  	[smem:$0x3F9D] =	sst s1;
	(tag) =	ssettag s2;
	_ =	strace s9  }
0x27: {  	s1 =	sld [smem:$0x3FAD]  }
0x28: {  	s2 =	sld [smem:$0x3FAE]  }
0x29: {  	s4 =	sld [smem:$0x3FB0]  }
0x2a: {  	p0 =	seq.s32 s5, $0x0;
	s5 =	sld [smem:$0x3FB1]  }
0x2b: {  	s6 =	sld [smem:$0x3FB2]  }
0x2c: {  	s7 =	sld [smem:$0x3FB3]  }
0x2d: {  	s3 =	simm.s32 $0x108;
	s8 =	sld [smem:$0x3FB4]  }
0x2e: {  	s3 =	simm.s32 @!p0 $0x1082;
	s9 =	sld [smem:$0x3FB5]  }
0x2f: {  	lr =	sadd.s32 s0, s3;
	s0 =	sld [smem:$0x3FAC]  }
0x30: {  	s3 =	sld [smem:$0x3FAF]  }
0x31: {  	[smem:$0x3FB8] =	sst s10  }
0x32: {  	s10 =	sld [smem:$0x3FB6];
	_ =	sdelay $0x3  }
0x33: {  	p0 =	seq.s32 s10, $0x1;
	s10 =	sld [smem:$0x3FB8];
	_ =	sdelay $0x3  }
0x34: {  	[smem:$0x3FB8] =	sst s10  }
0x35: {  	s10 =	sld [smem:$0x3FB7];
	_ =	sdelay $0x3  }
0x36: {  	p1 =	seq.s32 s10, $0x1;
	s10 =	sld [smem:$0x3FB8];
	_ =	sdelay $0x3  }
0x37: {  	[smem:$0x3FB8] =	sst s10  }
0x38: {  	s10 =	sld [smem:$0x3FB9]  }
0x39: {  	_ = 	snop;
	(pc) =	sbr.ind lr, $3  }
0x3a: {  	_ = 	snop  }
0x3b: {  	_ = 	snop  }
0x3c: {  	p2 =	seq.s32 s10, $0x1;
	s10 =	sld [smem:$0x3FB8]  }
0x3d: {  	_ =	shalt  }
0x3e: {  	_ =	shalt  }
0x3f: {  	_ =	shalt  }
0x40: {  	_ =	shalt  }
0x41: {  	_ =	shalt  }
0x42: {  	_ =	shalt  }
0x43: {  	_ =	shalt  }
0x44: {  	_ =	shalt  }
0x45: {  	_ =	shalt  }
0x46: {  	_ =	shalt  }
0x47: {  	_ =	shalt  }
0x48: {  	_ =	shalt  }
0x49: {  	_ =	shalt  }
0x4a: {  	_ =	shalt  }
0x4b: {  	_ =	shalt  }
0x4c: {  	_ =	shalt  }
0x4d: {  	_ =	shalt  }
0x4e: {  	_ =	shalt  }
0x4f: {  	_ =	shalt  }
0x50: {  	_ =	shalt  }
0x51: {  	_ =	shalt  }
0x52: {  	_ =	shalt  }
0x53: {  	_ =	shalt  }
0x54: {  	_ =	shalt  }
0x55: {  	_ =	shalt  }
0x56: {  	_ =	shalt  }
0x57: {  	_ =	shalt  }
0x58: {  	_ =	shalt  }
0x59: {  	_ =	shalt  }
0x5a: {  	_ =	shalt  }
0x5b: {  	_ =	shalt  }
0x5c: {  	_ =	shalt  }
0x5d: {  	_ =	shalt  }
0x5e: {  	_ =	shalt  }
0x5f: {  	_ =	shalt  }
0x60: {  	_ =	shalt  }
0x61: {  	_ =	shalt  }
0x62: {  	_ =	shalt  }
0x63: {  	_ =	shalt  }
0x64: {  	_ =	shalt  }
0x65: {  	_ =	shalt  }
0x66: {  	_ =	shalt  }
0x67: {  	_ =	shalt  }
0x68: {  	_ =	shalt  }
0x69: {  	_ =	shalt  }
0x6a: {  	_ =	shalt  }
0x6b: {  	_ =	shalt  }
0x6c: {  	_ =	shalt  }
0x6d: {  	_ =	shalt  }
0x6e: {  	_ =	shalt  }
0x6f: {  	_ =	shalt  }
0x70: {  	_ =	shalt  }
0x71: {  	_ =	shalt  }
0x72: {  	_ =	shalt  }
0x73: {  	_ =	shalt  }
0x74: {  	_ =	shalt  }
0x75: {  	_ =	shalt  }
0x76: {  	_ =	shalt  }
0x77: {  	_ =	shalt  }
0x78: {  	_ =	shalt  }
0x79: {  	_ =	shalt  }
0x7a: {  	_ =	shalt  }
0x7b: {  	_ =	shalt  }
0x7c: {  	_ =	shalt  }
0x7d: {  	_ =	shalt  }
0x7e: {  	_ =	shalt  }
0x7f: {  	_ =	shalt  }
0x80: {  	_ =	shalt  }
0x81: {  	_ =	shalt  }
0x82: {  	_ =	shalt  }
0x83: {  	_ =	shalt  }
0x84: {  	_ =	shalt  }
0x85: {  	_ =	shalt  }
0x86: {  	_ =	shalt  }
0x87: {  	_ =	shalt  }
.Lfunc_end0:
.L_simem_size_0:
called_computation_lowered:
.L_overlay_start_0:
0x88: {  	s2 =	sld [smem:$0x3FD9]  }
0x89: {  	s3 =	sld [smem:$0x3FFE];
	_ =	sdelay $0x1  }
0x8a: {  	s1 =	srdreg.scid  }
0x8b: {  	s0 =	sand.u32 $0x1, s1  }
0x8c: {  	s17 =	sshll.u32 s0, $0xA;
	s2 =	sadd.s32 s3, s2  }
0x8d: {  	s2 =	sadd.s32 s2, s17  }
0x8e: {  	[smem:$0x3FC4] =	sst s2  }
0x8f: {  	_ = 	snop  }
0x90: {  	s2 =	sld [smem:$0x3FC9]  }
0x91: {  	s18 =	sld [smem:$0x3FD0];
	(tm) =	ssettm $0x1  }
0x92: {  	s4 =	sld [smem:$0x3FFB];
	_ =	sdelay $0x3  }
0x93: {  	_ =	strace s4  }
0x94: {  	s4 =	sld [smem:$0x3FFC];
	_ =	sdelay $0x3  }
0x95: {  	_ =	strace s4  }
0x96: {  	s4 =	sld [smem:$0x3FFD];
	_ =	sdelay $0x3  }
0x97: {  	_ =	strace s4  }
0x98: {  	_ =	strace $0x8FFFFFFF  }
0x99: {  	s19 =	sld [smem:$0x3FDB];
	_ =	sdelay $0x1  }
0x9a: {  	s5 =	simm.s32 $_scs_section_size  }
0x9b: {  	s6 =	simm.s32 $_size__tile_overlayer_lowered;
	s7 =	simm.s32 $_tile_overlayer_lowered  }
0x9c: {  	s22 =	simm.s32 $0x1BFF;
	s21 =	sshll.u32 s7, $0x1;
	s4 =	sadd.s32 s5, s19  }
0x9d: {  	s8 =	simm.s32 $0x0;
	s20 =	sshll.u32 s6, $0x1;
	s6 =	sadd.s32 s21, s4  }
0x9e: {  	[timem:s8], [sflag:s22] =	dma.local [hbm:s6], s20  }
0x9f: {  	_ =	swait.ge [sflag:s22], s20  }
0xa0: {  	s5 =	ssub.s32 $0x0, s20;
	[sflag:s22] =	ssyncset.done $0x0  }
0xa1: {  	[sflag:s22] =	ssyncadd.s32 s5;
	_ =	sdelay $0x1  }
0xa2: {  	s23 =	simm.s32 $0x1B8B  }
0xa3: {  	_ =	swait.ge [sflag:s23], $0x1  }
0xa4: {  	[sflag:s23] =	ssyncset.done $0x0  }
0xa5: {  	s25 =	simm.s32 $0x1B8E;
	s24 =	sld [smem:$0x3FFE];
	[sflag:s23] =	ssyncadd.s32 $0xFFFFFFFF  }
0xa6: {  	s26 =	simm.s32 $execute0_lowered;
	[smem:$0x3FD2] =	sst s25  }
0xa7: {  	s6 =	sshll.u32 s26, $0x1;
	_ =	strace $0x80000046;
	[dreg:$0x1] =	wrdreg $0xFFFFFFFF  }
0xa8: {  	s28 =	simm.s32 $_size_execute0_lowered;
	s4 =	sadd.s32 s4, s6;
	[dreg:$0x0] =	wrdreg $0x0  }
0xa9: {  	s6 =	sshll.u32 s28, $0x1;
	[dreg:$0x2] =	wrdreg s4  }
0xaa: {  	[dreg:$0x3] =	wrdreg s6  }
0xab: {  	[dreg:$0x4] =	wrdreg $0xC0  }
0xac: {  	_ =	task [dreg:s8], $0x5FFFF  }
0xad: {  	[dreg:$0x1] =	wrdreg $0xFFFFFFFF  }
0xae: {  	[dreg:$0x0] =	wrdreg $0x60  }
0xaf: {  	[dreg:$0x2] =	wrdreg s2  }
0xb0: {  	[dreg:$0x3] =	wrdreg s18  }
0xb1: {  	[dreg:$0x4] =	wrdreg s24  }
0xb2: {  	[dreg:$0x5] =	wrdreg $0x0  }
0xb3: {  	[dreg:$0x6] =	wrdreg $0x140000  }
0xb4: {  	[dreg:$0x7] =	wrdreg $0x9  }
0xb5: {  	_ =	task.clear_ibuf [dreg:s8], $0x8FFFF;
	_ =	strace $0x90000046  }
0xb6: {  	s29 =	simm.s32 $0x9;
	_ =	strace $0x80000048  }
0xb7: {  	_ =	swait.ge [sflag:s29], $0x1  }
0xb8: {  	[sflag:s29] =	ssyncadd.s32 $0xFFFFFFFF  }
0xb9: {  	_ =	strace $0x90000048  }
0xba: {  	_ =	sfence  }
0xbb: {  	s30 =	sld [smem:$0x0];
	_ =	sdelay $0x2  }
0xbc: {  	s31 =	sshll.u32 s1, $0xD;
	s1 =	sshrl.u32 s1, $0x2  }
0xbd: {  	s3 =	sand.u32 $0x4000, s31;
	s1 =	sadd.s32 s1, s30  }
0xbe: {  	s0 =	sor.u32 s3, s0;
	s1 =	sshll.u32 s1, $0x11  }
0xbf: {  	s0 =	sor.u32 s1, s0  }
0xc0: {  	s0 =	sadd.s32 $0x8F2B, s0  }
0xc1: {  	[sflag:s0] =	ssyncadd.remote.s32 $0x1  }
0xc2: {  	_ =	sfence.sel $0xFFFF  }
0xc3: {  	[dreg:$0x0] =	wrdreg $0xFFFFFFFF;
	(pc) =	sbr.abs _section_cstart, $3  }
0xc4: {  	[dreg:$0x1] =	wrdreg $0xFFFFFFFF  }
0xc5: {  	_ =	task.clear_ibuf [dreg:s8], $0x2FFFF;
	_ =	strace $0x9FFFFFFF  }
0xc6: {  	(tm) =	ssettm $0x7FFFFFFF  }
0xc7: {  	_ =	shalt  }
tec
execute0_lowered:
.L_overlay_start_1:
0x0: {  	(tag) =	ssettag $0x1  }
0x1: {  	s0 =	rddreg [dreg:$0x0]  }
0x2: {  	s5 =	rddreg [dreg:$0x1]  }
0x3: {  	s3 =	rddreg [dreg:$0x2];
	s2 =	simm.s32 $0x0  }
0x4: {  	s19 =	stileid.u32;
	s4 =	srdreg.scid;
	s28 =	simm.s32 $0x169E0  }
0x5: {  	s29 =	simm.s32 $0x0;
	[smem:$0x7FF] =	sst s2;
	s1 =	smul.u32 $0x280, s19  }
0x6: {  	s6 =	sadd.s32 $0xE00, s3;
	s7 =	sand.u32 $0x1, s4;
	s25 =	smul.u32 $0x500, s19  }
0x7: {  	s8 =	sadd.s32 $0xC400, s3;
	s14 =	sshrl.u32 s19, $0x2;
	s30 =	smul.u32 $0x14000, s19  }
0x8: {  	s16 =	sshll.u32 s19, $0x8;
	s9 =	sshll.u32 s7, $0x7;
	s14 =	smul.u32 $0x14000, s14  }
0x9: {  	s10 =	ssub.s32 $0x2, s7;
	s16 =	sand.u32 $0x300, s16;
	s7 =	smul.u32 $0x140000, s7  }
0xa: {  	s11 =	sor.u32 s9, s25;
	s26 =	sshrl.u32 s10, $0x1;
	s12 =	sshll.u32 s1, $0x7  }
0xb: {  	s9 =	sor.u32 s9, s16;
	s4 =	ssub.s32 s10, s26;
	s10 =	sor.u32 $0x2800, s12  }
0xc: {  	s13 =	sadd.s32 $0x5000, s12;
	s15 =	sadd.s32 $0x7800, s12;
	s17 =	sadd.s32 $0xA000, s12  }
0xd: {  	s18 =	sadd.s32 $0xC800, s12;
	s25 =	sadd.s32 $0xF000, s12;
	s9 =	sor.u32 s14, s9  }
0xe: {  	s12 =	sadd.s32 $0x11800, s12;
	s14 =	sshrl.u32 s9, $0x3;
	s9 =	sadd.s32 $0xA000, s9  }
0xf: {  	s16 =	sadd.s32 s7, s10;
	s24 =	sadd.s32 s7, s15;
	s26 =	sadd.s32 s7, s17  }
0x10: {  	s20 =	sadd.s32 s5, s14;
	s14 =	sadd.s32 s6, s14;
	s9 =	sshrl.u32 s9, $0x3  }
0x11: {  	s21 =	sshrl.u32 s16, $0x3;
	s16 =	sadd.s32 s7, s25;
	[dreg:$0x6] =	wrdreg s20  }
0x12: {  	[dreg:$0x7] =	wrdreg s14;
	s5 =	sadd.s32 s5, s9;
	s9 =	sadd.s32 s6, s9  }
0x13: {  	s14 =	sadd.s32 s30, s7;
	s20 =	sadd.s32 s7, s13;
	s30 =	sadd.s32 s7, s18  }
0x14: {  	s6 =	sshrl.u32 s26, $0x3;
	[dreg:$0x8] =	wrdreg s5;
	s5 =	sshrl.u32 s14, $0x3  }
0x15: {  	[dreg:$0x9] =	wrdreg s9;
	s22 =	sshrl.u32 s20, $0x3;
	s5 =	sadd.s32 s8, s5  }
0x16: {  	s9 =	sshrl.u32 s30, $0x3;
	s23 =	sadd.s32 s8, s22;
	[dreg:$0xa] =	wrdreg s5  }
0x17: {  	s20 =	sadd.s32 s7, s12;
	s14 =	sadd.s32 s8, s9;
	[dreg:$0xc] =	wrdreg s23  }
0x18: {  	s30 =	smax.u32 s4, $0x1;
	s22 =	smul.u32 $0x50000, s19;
	[dreg:$0xf] =	wrdreg s14  }
0x19: {  	s9 =	simm.s32 $0x19280;
	s5 =	sadd.s32 s8, s21;
	s14 =	rddreg [dreg:$0x3]  }
0x1a: {  	s21 =	sshrl.u32 s20, $0x3;
	s23 =	sshrl.u32 s11, $0x3;
	s11 =	simm.s32 $0x1  }
0x1b: {  	[dreg:$0xb] =	wrdreg s5;
	s5 =	sshrl.u32 s24, $0x3;
	s24 =	sshrl.u32 s1, $0x3  }
0x1c: {  	s20 =	sadd.s32 s10, s14;
	s31 =	sadd.s32 s15, s14;
	s17 =	sadd.s32 s17, s14  }
0x1d: {  	s10 =	simm.s32 $0x1BA80;
	s15 =	simm.s32 $0x3;
	s5 =	sadd.s32 s8, s5  }
0x1e: {  	s7 =	sadd.s32 s24, s3;
	[dreg:$0xd] =	wrdreg s5;
	s5 =	sadd.s32 s8, s6  }
0x1f: {  	s6 =	sadd.s32 s23, s3;
	[dreg:$0xe] =	wrdreg s5;
	s5 =	sshrl.u32 s16, $0x3  }
0x20: {  	s3 =	sadd.s32 $0xAE00, s3;
	s16 =	rddreg [dreg:$0x4];
	s5 =	sadd.s32 s8, s5  }
0x21: {  	s26 =	sadd.s32 $0xBA00, s6;
	[dreg:$0x10] =	wrdreg s5;
	s5 =	sadd.s32 s8, s21  }
0x22: {  	s6 =	simm.s32 $0x16A30;
	s1 =	sadd.s32 s1, s16;
	[dreg:$0x11] =	wrdreg s5  }
0x23: {  	s5 =	sshrl.u32 s22, $0x2;
	_ =	strace $0x80000047;
	[dreg:$0x12] =	wrdreg s3  }
0x24: {  	s22 =	sadd.s32 s25, s14;
	s25 =	sadd.s32 $0xB400, s7;
	[dreg:$0x13] =	wrdreg s1  }
0x25: {  	s21 =	sadd.s32 s13, s14;
	s13 =	simm.s32 $0x16A80;
	[dreg:$0x14] =	wrdreg s25  }
0x26: {  	s7 =	simm.s32 $0x50;
	s19 =	sadd.s32 s5, s14;
	[dreg:$0x15] =	wrdreg s26  }
0x27: {  	s3 =	sadd.s32 s18, s14;
	s5 =	sadd.s32 s12, s14;
	[dreg:$0x16] =	wrdreg s30  }
0x28: {  	v0 =	vimm.f32 $1.000000000e+00;
	s1 =	simm.s32 $0x4;
	s12 =	simm.s32 $0x2;
	s18 =	simm.s32 $0x15630  }
.LBB2_1:
0x29: {  	[tilespmem:$0x1BA80] =	vst v0  }
0x2a: {  	[tilespmem:$0x1BA90] =	vst v0  }
0x2b: {  	[tilespmem:$0x1BAA0] =	vst v0  }
0x2c: {  	[tilespmem:$0x1BAB0] =	vst v0  }
0x2d: {  	[tilespmem:$0x1BAC0] =	vst v0;
	s8 =	rddreg [dreg:$0x12]  }
0x2e: {  	[tilespmem:s13], [sflag:$0x4] =	stream.linear.gather [hbm4b:s8+s2], $0x2800, $0x38;
	[tilespmem:$0x1BB00] =	vst v63  }
0x2f: {  	_ =	swait.ge [sflag:s1], $0x2800  }
0x30: {  	[sflag:s1] =	ssyncset.done $0x0  }
0x31: {  	[sflag:s1] =	ssyncadd.s32 $0xFFFFD800  }
0x32: {  	[spmem:s19] =	stream.linear.scatter [tilespmem:s13], [sflag:$0x4], $0x2800, $0x38;
	[tilespmem:$0x1BB00] =	vst v63  }
0x33: {  	_ =	swait.ge [sflag:s1], $0x2800  }
0x34: {  	[sflag:s1] =	ssyncset.done $0x0  }
0x35: {  	[sflag:s1] =	ssyncadd.s32 $0xFFFFD800  }
0x36: {  	[spmem:s20] =	stream.linear.scatter [tilespmem:s13], [sflag:$0x4], $0x2800, $0x38;
	[tilespmem:$0x1BB00] =	vst v63  }
0x37: {  	_ =	swait.ge [sflag:s1], $0x2800  }
0x38: {  	[sflag:s1] =	ssyncset.done $0x0  }
0x39: {  	[sflag:s1] =	ssyncadd.s32 $0xFFFFD800  }
0x3a: {  	[spmem:s21] =	stream.linear.scatter [tilespmem:s13], [sflag:$0x4], $0x2800, $0x38;
	[tilespmem:$0x1BB00] =	vst v63  }
0x3b: {  	_ =	swait.ge [sflag:s1], $0x2800  }
0x3c: {  	[sflag:s1] =	ssyncset.done $0x0  }
0x3d: {  	[sflag:s1] =	ssyncadd.s32 $0xFFFFD800  }
0x3e: {  	[spmem:s31] =	stream.linear.scatter [tilespmem:s13], [sflag:$0x4], $0x2800, $0x38;
	[tilespmem:$0x1BB00] =	vst v63  }
0x3f: {  	_ =	swait.ge [sflag:s1], $0x2800  }
0x40: {  	[sflag:s1] =	ssyncset.done $0x0  }
0x41: {  	[sflag:s1] =	ssyncadd.s32 $0xFFFFD800  }
0x42: {  	[spmem:s17] =	stream.linear.scatter [tilespmem:s13], [sflag:$0x4], $0x2800, $0x38;
	[tilespmem:$0x1BB00] =	vst v63  }
0x43: {  	_ =	swait.ge [sflag:s1], $0x2800  }
0x44: {  	[sflag:s1] =	ssyncset.done $0x0  }
0x45: {  	[sflag:s1] =	ssyncadd.s32 $0xFFFFD800  }
0x46: {  	[spmem:s3] =	stream.linear.scatter [tilespmem:s13], [sflag:$0x4], $0x2800, $0x38;
	[tilespmem:$0x1BB00] =	vst v63  }
0x47: {  	_ =	swait.ge [sflag:s1], $0x2800  }
0x48: {  	[sflag:s1] =	ssyncset.done $0x0  }
0x49: {  	s30 =	smov.u32 s22;
	[sflag:s1] =	ssyncadd.s32 $0xFFFFD800  }
0x4a: {  	[spmem:s30] =	stream.linear.scatter [tilespmem:s13], [sflag:$0x4], $0x2800, $0x38;
	[tilespmem:$0x1BB00] =	vst v63  }
0x4b: {  	_ =	swait.ge [sflag:s1], $0x2800  }
0x4c: {  	s22 =	smov.u32 s19;
	s23 =	smov.u32 s20;
	[sflag:s1] =	ssyncset.done $0x0  }
0x4d: {  	s26 =	smov.u32 s17;
	s17 =	stileid.u32;
	[sflag:s1] =	ssyncadd.s32 $0xFFFFD800  }
0x4e: {  	[spmem:s5] =	stream.linear.scatter [tilespmem:s13], [sflag:$0x4], $0x2800, $0x38;
	[tilespmem:$0x1BB00] =	vst v63  }
0x4f: {  	s4 =	smov.u32 s30;
	s8 =	sshll.u32 s17, $0x6;
	_ =	swait.ge [sflag:s1], $0x2800  }
0x50: {  	s30 =	sor.u32 $0x1C04, s8;
	[sflag:s1] =	ssyncset.done $0x0;
	s19 =	rddreg [dreg:$0x13]  }
0x51: {  	s20 =	rddreg [dreg:$0x14];
	[sflag:s1] =	ssyncadd.s32 $0xFFFFD800;
	s8 =	sshrl.u32 s19, $0x3  }
0x52: {  	[spmem:s8], [sflag:s30] =	dma.local [hbm:s20], $0x50  }
0x53: {  	s24 =	smov.u32 s21;
	_ =	swait.ge [sflag:s1], $0x50  }
0x54: {  	s21 =	simm.s32 $0x14280;
	s19 =	simm.s32 $0x80;
	[sflag:s1] =	ssyncset.done $0x0  }
0x55: {  	s20 =	simm.s32 $0x400;
	s17 =	rddreg [dreg:$0x6];
	[sflag:s1] =	ssyncadd.s32 $0xFFFFFFB0  }
0x56: {  	[tilespmem:s21], [sflag:$0x4] =	stream.strided.gather [hbm4b:s17+s19], $0x1400, s20, s19, $0x38;
	[tilespmem:$0x1BB00] =	vst v63  }
0x57: {  	_ =	swait.ge [sflag:s1], $0x1400  }
0x58: {  	s25 =	smov.u32 s31;
	[sflag:s1] =	ssyncset.done $0x0  }
0x59: {  	s31 =	simm.s32 $0x15680;
	s17 =	rddreg [dreg:$0x7];
	[sflag:s1] =	ssyncadd.s32 $0xFFFFEC00  }
0x5a: {  	[tilespmem:s31], [sflag:$0x4] =	stream.strided.gather [hbm4b:s17+s19], $0x1400, s20, s19, $0x38;
	[tilespmem:$0x1BB00] =	vst v63  }
0x5b: {  	_ =	swait.ge [sflag:s1], $0x1400  }
0x5c: {  	[sflag:s1] =	ssyncset.done $0x0  }
0x5d: {  	[sflag:s1] =	ssyncadd.s32 $0xFFFFEC00  }
0x5e: {  	[bflag:$0x0] =	sbarrier.arrive $0xFFFF  }
0x5f: {  	[tilespmem:s13], [sflag:$0x1] =	stream.indirect.gather [hbm4b:s0+s7], $0x80, s21, s7, $0xb8;
	[tilespmem:$0x1BB00] =	vst v63  }
0x60: {  	s21 =	simm.s32 $0x142D0  }
0x61: {  	[tilespmem:s9], [sflag:$0x2] =	stream.indirect.gather [hbm4b:s0+s7], $0x80, s21, s7, $0xb8;
	[tilespmem:$0x1BB00] =	vst v63  }
0x62: {  	s19 =	simm.s32 $0x15680  }
0x63: {  	[spmem:s16] =	stream.indirect.scatter.add.f32 [tilespmem:s10], [sflag:$0x3], $0x1, s19, s7, $0xb8;
	[tilespmem:$0x1BB00] =	vst v63  }
0x64: {  	s31 =	simm.s32 $0x156D0  }
0x65: {  	[spmem:s16] =	stream.indirect.scatter.add.f32 [tilespmem:s10], [sflag:$0x3], $0x1, s31, s7, $0xb8;
	[tilespmem:$0x1BB00] =	vst v63  }
0x66: {  	_ =	swait.ge [sflag:s11], $0x2800  }
0x67: {  	[sflag:s11] =	ssyncset.done $0x0  }
0x68: {  	[sflag:s11] =	ssyncadd.s32 $0xFFFFD800  }
0x69: {  	[spmem:s14] =	stream.indirect.scatter.add.f32 [tilespmem:s13], [sflag:$0x4], $0x80, s19, s7, $0xb8;
	[tilespmem:$0x1BB00] =	vst v63  }
0x6a: {  	_ =	swait.ge [sflag:s1], $0x2800  }
0x6b: {  	[sflag:s1] =	ssyncset.done $0x0  }
0x6c: {  	s20 =	simm.s32 $0x14320;
	[sflag:s1] =	ssyncadd.s32 $0xFFFFD800  }
0x6d: {  	[tilespmem:s13], [sflag:$0x1] =	stream.indirect.gather [hbm4b:s0+s7], $0x80, s20, s7, $0xb8;
	[tilespmem:$0x1BB00] =	vst v63  }
0x6e: {  	_ =	swait.ge [sflag:s12], $0x2800  }
0x6f: {  	[sflag:s12] =	ssyncset.done $0x0  }
0x70: {  	[sflag:s12] =	ssyncadd.s32 $0xFFFFD800  }
0x71: {  	[spmem:s14] =	stream.indirect.scatter.add.f32 [tilespmem:s9], [sflag:$0x4], $0x80, s31, s7, $0xb8;
	[tilespmem:$0x1BB00] =	vst v63  }
0x72: {  	_ =	swait.ge [sflag:s1], $0x2800  }
0x73: {  	[sflag:s1] =	ssyncset.done $0x0  }
0x74: {  	s21 =	simm.s32 $0x14370;
	[sflag:s1] =	ssyncadd.s32 $0xFFFFD800  }
0x75: {  	[tilespmem:s9], [sflag:$0x2] =	stream.indirect.gather [hbm4b:s0+s7], $0x80, s21, s7, $0xb8;
	[tilespmem:$0x1BB00] =	vst v63  }
0x76: {  	_ =	swait.ge [sflag:s15], $0x50  }
0x77: {  	[sflag:s15] =	ssyncset.done $0x0  }
0x78: {  	[sflag:s15] =	ssyncadd.s32 $0xFFFFFFB0  }
0x79: {  	_ =	swait.ge [sflag:s15], $0x50  }
0x7a: {  	s17 =	simm.s32 $0xA0;
	s31 =	simm.s32 $0x500;
	[sflag:s15] =	ssyncset.done $0x0  }
.LBB2_2:
0x7b: {  	s19 =	sadd.s32 $0x15680, s17  }
0x7c: {  	[sflag:s15] =	ssyncadd.s32 $0xFFFFFFB0;
	s20 =	smov.u32 s31;
	s31 =	sadd.s32 $0x280, s31  }
0x7d: {  	[spmem:s16] =	stream.indirect.scatter.add.f32 [tilespmem:s10], [sflag:$0x3], $0x1, s19, s7, $0xb8;
	[tilespmem:$0x1BB00] =	vst v63  }
0x7e: {  	s21 =	sadd.s32 $0x156D0, s17;
	p0 =	sne.s32 s31, $0x4B00  }
0x7f: {  	[spmem:s16] =	stream.indirect.scatter.add.f32 [tilespmem:s10], [sflag:$0x3], $0x1, s21, s7, $0xb8;
	[tilespmem:$0x1BB00] =	vst v63  }
0x80: {  	_ =	swait.ge [sflag:s11], $0x2800  }
0x81: {  	[sflag:s11] =	ssyncset.done $0x0  }
0x82: {  	[sflag:s11] =	ssyncadd.s32 $0xFFFFD800  }
0x83: {  	[spmem:s14] =	stream.indirect.scatter.add.f32 [tilespmem:s13], [sflag:$0x4], $0x80, s19, s7, $0xb8;
	[tilespmem:$0x1BB00] =	vst v63  }
0x84: {  	_ =	swait.ge [sflag:s1], $0x2800  }
0x85: {  	[sflag:s1] =	ssyncset.done $0x0  }
0x86: {  	s19 =	sadd.s32 $0x14320, s17;
	[sflag:s1] =	ssyncadd.s32 $0xFFFFD800  }
0x87: {  	[tilespmem:s13], [sflag:$0x1] =	stream.indirect.gather [hbm4b:s0+s7], $0x80, s19, s7, $0xb8;
	[tilespmem:$0x1BB00] =	vst v63  }
0x88: {  	_ =	swait.ge [sflag:s12], $0x2800  }
0x89: {  	[sflag:s12] =	ssyncset.done $0x0  }
0x8a: {  	[sflag:s12] =	ssyncadd.s32 $0xFFFFD800  }
0x8b: {  	[spmem:s14] =	stream.indirect.scatter.add.f32 [tilespmem:s9], [sflag:$0x4], $0x80, s21, s7, $0xb8;
	[tilespmem:$0x1BB00] =	vst v63  }
0x8c: {  	_ =	swait.ge [sflag:s1], $0x2800  }
0x8d: {  	[sflag:s1] =	ssyncset.done $0x0  }
0x8e: {  	s17 =	sadd.s32 $0x14370, s17;
	[sflag:s1] =	ssyncadd.s32 $0xFFFFD800  }
0x8f: {  	[tilespmem:s9], [sflag:$0x2] =	stream.indirect.gather [hbm4b:s0+s7], $0x80, s17, s7, $0xb8;
	[tilespmem:$0x1BB00] =	vst v63  }
.Ltmp0:
0x90: {  	_ =	swait.ge [sflag:s15], $0x50;
	(pc) =	sbr.rel @p0 .LBB2_2-.Ltmp0, $4  }
0x91: {  	[sflag:s15] =	ssyncset.done $0x0  }
0x92: {  	[sflag:s15] =	ssyncadd.s32 $0xFFFFFFB0  }
0x93: {  	_ =	swait.ge [sflag:s15], $0x50  }
0x94: {  	s17 =	sshra.s32 s20, $0x2;
	[sflag:s15] =	ssyncset.done $0x0  }
0x95: {  	s19 =	sadd.s32 $0x15680, s17;
	[sflag:s15] =	ssyncadd.s32 $0xFFFFFFB0  }
0x96: {  	[spmem:s16] =	stream.indirect.scatter.add.f32 [tilespmem:s10], [sflag:$0x3], $0x1, s19, s7, $0xb8;
	[tilespmem:$0x1BB00] =	vst v63  }
0x97: {  	s20 =	sadd.s32 $0x156D0, s17  }
0x98: {  	[spmem:s16] =	stream.indirect.scatter.add.f32 [tilespmem:s10], [sflag:$0x3], $0x1, s20, s7, $0xb8;
	[tilespmem:$0x1BB00] =	vst v63  }
0x99: {  	_ =	swait.ge [sflag:s11], $0x2800  }
0x9a: {  	[sflag:s11] =	ssyncset.done $0x0  }
0x9b: {  	[sflag:s11] =	ssyncadd.s32 $0xFFFFD800  }
0x9c: {  	[spmem:s14] =	stream.indirect.scatter.add.f32 [tilespmem:s13], [sflag:$0x4], $0x80, s19, s7, $0xb8;
	[tilespmem:$0x1BB00] =	vst v63  }
0x9d: {  	_ =	swait.ge [sflag:s1], $0x2800  }
0x9e: {  	[sflag:s1] =	ssyncset.done $0x0  }
0x9f: {  	s21 =	sadd.s32 $0x14320, s17;
	[sflag:s1] =	ssyncadd.s32 $0xFFFFD800  }
0xa0: {  	[tilespmem:s13], [sflag:$0x1] =	stream.indirect.gather [hbm4b:s0+s7], $0x80, s21, s7, $0xb8;
	[tilespmem:$0x1BB00] =	vst v63  }
0xa1: {  	_ =	swait.ge [sflag:s12], $0x2800  }
0xa2: {  	[sflag:s12] =	ssyncset.done $0x0  }
0xa3: {  	[sflag:s12] =	ssyncadd.s32 $0xFFFFD800  }
0xa4: {  	[spmem:s14] =	stream.indirect.scatter.add.f32 [tilespmem:s9], [sflag:$0x4], $0x80, s20, s7, $0xb8;
	[tilespmem:$0x1BB00] =	vst v63  }
0xa5: {  	_ =	swait.ge [sflag:s1], $0x2800  }
0xa6: {  	[sflag:s1] =	ssyncset.done $0x0  }
0xa7: {  	s21 =	sadd.s32 $0x14370, s17;
	[sflag:s1] =	ssyncadd.s32 $0xFFFFD800  }
0xa8: {  	[tilespmem:s9], [sflag:$0x2] =	stream.indirect.gather [hbm4b:s0+s7], $0x80, s21, s7, $0xb8;
	[tilespmem:$0x1BB00] =	vst v63  }
0xa9: {  	_ =	swait.ge [sflag:s15], $0x50  }
0xaa: {  	[sflag:s15] =	ssyncset.done $0x0  }
0xab: {  	[sflag:s15] =	ssyncadd.s32 $0xFFFFFFB0  }
0xac: {  	_ =	swait.ge [sflag:s15], $0x50  }
0xad: {  	s19 =	sshra.s32 s31, $0x2;
	[sflag:s15] =	ssyncset.done $0x0  }
0xae: {  	s20 =	sadd.s32 $0x15680, s19;
	[sflag:s15] =	ssyncadd.s32 $0xFFFFFFB0  }
0xaf: {  	[spmem:s16] =	stream.indirect.scatter.add.f32 [tilespmem:s10], [sflag:$0x3], $0x1, s20, s7, $0xb8;
	[tilespmem:$0x1BB00] =	vst v63  }
0xb0: {  	s17 =	sadd.s32 $0x156D0, s19  }
0xb1: {  	[spmem:s16] =	stream.indirect.scatter.add.f32 [tilespmem:s10], [sflag:$0x3], $0x1, s17, s7, $0xb8;
	[tilespmem:$0x1BB00] =	vst v63  }
0xb2: {  	_ =	swait.ge [sflag:s11], $0x2800  }
0xb3: {  	[sflag:s11] =	ssyncset.done $0x0  }
0xb4: {  	[sflag:s11] =	ssyncadd.s32 $0xFFFFD800  }
0xb5: {  	[spmem:s14] =	stream.indirect.scatter.add.f32 [tilespmem:s13], [sflag:$0x4], $0x80, s20, s7, $0xb8;
	[tilespmem:$0x1BB00] =	vst v63  }
0xb6: {  	_ =	swait.ge [sflag:s1], $0x2800  }
0xb7: {  	[sflag:s1] =	ssyncset.done $0x0  }
0xb8: {  	s21 =	simm.s32 $0x155E0;
	[sflag:s1] =	ssyncadd.s32 $0xFFFFD800  }
0xb9: {  	[tilespmem:s13], [sflag:$0x1] =	stream.indirect.gather [hbm4b:s0+s7], $0x80, s21, s7, $0xb8;
	[tilespmem:$0x1BB00] =	vst v63  }
0xba: {  	_ =	swait.ge [sflag:s12], $0x2800  }
0xbb: {  	[sflag:s12] =	ssyncset.done $0x0  }
0xbc: {  	[sflag:s12] =	ssyncadd.s32 $0xFFFFD800  }
0xbd: {  	[spmem:s14] =	stream.indirect.scatter.add.f32 [tilespmem:s9], [sflag:$0x4], $0x80, s17, s7, $0xb8;
	[tilespmem:$0x1BB00] =	vst v63  }
0xbe: {  	_ =	swait.ge [sflag:s1], $0x2800  }
0xbf: {  	[sflag:s1] =	ssyncset.done $0x0  }
0xc0: {  	[sflag:s1] =	ssyncadd.s32 $0xFFFFD800  }
0xc1: {  	[tilespmem:s9], [sflag:$0x2] =	stream.indirect.gather [hbm4b:s0+s7], $0x80, s18, s7, $0xb8;
	[tilespmem:$0x1BB00] =	vst v63  }
0xc2: {  	_ =	swait.ge [sflag:s15], $0x50  }
0xc3: {  	[sflag:s15] =	ssyncset.done $0x0  }
0xc4: {  	[sflag:s15] =	ssyncadd.s32 $0xFFFFFFB0  }
0xc5: {  	_ =	swait.ge [sflag:s15], $0x50  }
0xc6: {  	[sflag:s15] =	ssyncset.done $0x0  }
0xc7: {  	[sflag:s15] =	ssyncadd.s32 $0xFFFFFFB0  }
0xc8: {  	[spmem:s16] =	stream.indirect.scatter.add.f32 [tilespmem:s10], [sflag:$0x3], $0x1, s28, s7, $0xb8;
	[tilespmem:$0x1BB00] =	vst v63  }
0xc9: {  	_ = 	snop  }
0xca: {  	[spmem:s16] =	stream.indirect.scatter.add.f32 [tilespmem:s10], [sflag:$0x3], $0x1, s6, s7, $0xb8;
	[tilespmem:$0x1BB00] =	vst v63  }
0xcb: {  	_ =	swait.ge [sflag:s11], $0x2800  }
0xcc: {  	[sflag:s11] =	ssyncset.done $0x0  }
0xcd: {  	[sflag:s11] =	ssyncadd.s32 $0xFFFFD800  }
0xce: {  	[spmem:s14] =	stream.indirect.scatter.add.f32 [tilespmem:s13], [sflag:$0x4], $0x80, s28, s7, $0xb8;
	[tilespmem:$0x1BB00] =	vst v63  }
0xcf: {  	_ =	swait.ge [sflag:s1], $0x2800  }
0xd0: {  	[sflag:s1] =	ssyncset.done $0x0  }
0xd1: {  	[sflag:s1] =	ssyncadd.s32 $0xFFFFD800  }
0xd2: {  	[tilespmem:s13], [sflag:$0x1] =	stream.indirect.gather [hbm4b:s0+s7], $0x80, s18, s7, $0xb8;
	[tilespmem:$0x1BB00] =	vst v63  }
0xd3: {  	_ =	swait.ge [sflag:s12], $0x2800  }
0xd4: {  	[sflag:s12] =	ssyncset.done $0x0  }
0xd5: {  	[sflag:s12] =	ssyncadd.s32 $0xFFFFD800  }
0xd6: {  	[spmem:s14] =	stream.indirect.scatter.add.f32 [tilespmem:s9], [sflag:$0x4], $0x80, s6, s7, $0xb8;
	[tilespmem:$0x1BB00] =	vst v63  }
0xd7: {  	_ =	swait.ge [sflag:s1], $0x2800  }
0xd8: {  	[sflag:s1] =	ssyncset.done $0x0  }
0xd9: {  	[sflag:s1] =	ssyncadd.s32 $0xFFFFD800  }
0xda: {  	[tilespmem:s9], [sflag:$0x2] =	stream.indirect.gather [hbm4b:s0+s7], $0x80, s18, s7, $0xb8;
	[tilespmem:$0x1BB00] =	vst v63  }
0xdb: {  	_ =	swait.ge [sflag:s15], $0x50  }
0xdc: {  	[sflag:s15] =	ssyncset.done $0x0  }
0xdd: {  	[sflag:s15] =	ssyncadd.s32 $0xFFFFFFB0  }
0xde: {  	_ =	swait.ge [sflag:s15], $0x50  }
0xdf: {  	[sflag:s15] =	ssyncset.done $0x0  }
0xe0: {  	[sflag:s15] =	ssyncadd.s32 $0xFFFFFFB0  }
0xe1: {  	_ =	swait.ge [sflag:s11], $0x2800  }
0xe2: {  	[sflag:s11] =	ssyncset.done $0x0  }
0xe3: {  	[sflag:s11] =	ssyncadd.s32 $0xFFFFD800  }
0xe4: {  	_ =	swait.ge [sflag:s12], $0x2800  }
0xe5: {  	s19 =	simm.s32 $0x80;
	s20 =	simm.s32 $0x400;
	[sflag:s12] =	ssyncset.done $0x0  }
0xe6: {  	s21 =	simm.s32 $0x14280;
	s17 =	rddreg [dreg:$0x8];
	[sflag:s12] =	ssyncadd.s32 $0xFFFFD800  }
0xe7: {  	[tilespmem:s21], [sflag:$0x4] =	stream.strided.gather [hbm4b:s17+s19], $0x1400, s20, s19, $0x38;
	[tilespmem:$0x1BB00] =	vst v63  }
0xe8: {  	_ =	swait.ge [sflag:s1], $0x1400  }
0xe9: {  	[sflag:s1] =	ssyncset.done $0x0  }
0xea: {  	s31 =	simm.s32 $0x15680;
	s17 =	rddreg [dreg:$0x9];
	[sflag:s1] =	ssyncadd.s32 $0xFFFFEC00  }
0xeb: {  	[tilespmem:s31], [sflag:$0x4] =	stream.strided.gather [hbm4b:s17+s19], $0x1400, s20, s19, $0x38;
	[tilespmem:$0x1BB00] =	vst v63  }
0xec: {  	_ =	swait.ge [sflag:s1], $0x1400  }
0xed: {  	[sflag:s1] =	ssyncset.done $0x0  }
0xee: {  	[sflag:s1] =	ssyncadd.s32 $0xFFFFEC00  }
0xef: {  	[tilespmem:s13], [sflag:$0x1] =	stream.indirect.gather [hbm4b:s0+s7], $0x80, s21, s7, $0xb8;
	[tilespmem:$0x1BB00] =	vst v63  }
0xf0: {  	s19 =	simm.s32 $0x142D0  }
0xf1: {  	[tilespmem:s9], [sflag:$0x2] =	stream.indirect.gather [hbm4b:s0+s7], $0x80, s19, s7, $0xb8;
	[tilespmem:$0x1BB00] =	vst v63  }
0xf2: {  	s20 =	simm.s32 $0x15680  }
0xf3: {  	[spmem:s16] =	stream.indirect.scatter.add.f32 [tilespmem:s10], [sflag:$0x3], $0x1, s20, s7, $0xb8;
	[tilespmem:$0x1BB00] =	vst v63  }
0xf4: {  	s21 =	simm.s32 $0x156D0  }
0xf5: {  	[spmem:s16] =	stream.indirect.scatter.add.f32 [tilespmem:s10], [sflag:$0x3], $0x1, s21, s7, $0xb8;
	[tilespmem:$0x1BB00] =	vst v63  }
0xf6: {  	_ =	swait.ge [sflag:s11], $0x2800  }
0xf7: {  	[sflag:s11] =	ssyncset.done $0x0  }
0xf8: {  	[sflag:s11] =	ssyncadd.s32 $0xFFFFD800  }
0xf9: {  	[spmem:s14] =	stream.indirect.scatter.add.f32 [tilespmem:s13], [sflag:$0x4], $0x80, s20, s7, $0xb8;
	[tilespmem:$0x1BB00] =	vst v63  }
0xfa: {  	_ =	swait.ge [sflag:s1], $0x2800  }
0xfb: {  	[sflag:s1] =	ssyncset.done $0x0  }
0xfc: {  	s20 =	simm.s32 $0x14320;
	[sflag:s1] =	ssyncadd.s32 $0xFFFFD800  }
0xfd: {  	[tilespmem:s13], [sflag:$0x1] =	stream.indirect.gather [hbm4b:s0+s7], $0x80, s20, s7, $0xb8;
	[tilespmem:$0x1BB00] =	vst v63  }
0xfe: {  	_ =	swait.ge [sflag:s12], $0x2800  }
0xff: {  	[sflag:s12] =	ssyncset.done $0x0  }
0x100: {  	[sflag:s12] =	ssyncadd.s32 $0xFFFFD800  }
0x101: {  	[spmem:s14] =	stream.indirect.scatter.add.f32 [tilespmem:s9], [sflag:$0x4], $0x80, s21, s7, $0xb8;
	[tilespmem:$0x1BB00] =	vst v63  }
0x102: {  	_ =	swait.ge [sflag:s1], $0x2800  }
0x103: {  	[sflag:s1] =	ssyncset.done $0x0  }
0x104: {  	s21 =	simm.s32 $0x14370;
	[sflag:s1] =	ssyncadd.s32 $0xFFFFD800  }
0x105: {  	[tilespmem:s9], [sflag:$0x2] =	stream.indirect.gather [hbm4b:s0+s7], $0x80, s21, s7, $0xb8;
	[tilespmem:$0x1BB00] =	vst v63  }
0x106: {  	_ =	swait.ge [sflag:s15], $0x50  }
0x107: {  	[sflag:s15] =	ssyncset.done $0x0  }
0x108: {  	[sflag:s15] =	ssyncadd.s32 $0xFFFFFFB0  }
0x109: {  	_ =	swait.ge [sflag:s15], $0x50  }
0x10a: {  	s31 =	simm.s32 $0x500;
	s17 =	simm.s32 $0xA0;
	[sflag:s15] =	ssyncset.done $0x0  }
.LBB2_4:
0x10b: {  	s19 =	sadd.s32 $0x15680, s17  }
0x10c: {  	[sflag:s15] =	ssyncadd.s32 $0xFFFFFFB0;
	s20 =	smov.u32 s31;
	s31 =	sadd.s32 $0x280, s31  }
0x10d: {  	[spmem:s16] =	stream.indirect.scatter.add.f32 [tilespmem:s10], [sflag:$0x3], $0x1, s19, s7, $0xb8;
	[tilespmem:$0x1BB00] =	vst v63  }
0x10e: {  	s21 =	sadd.s32 $0x156D0, s17;
	p0 =	sne.s32 s31, $0x4B00  }
0x10f: {  	[spmem:s16] =	stream.indirect.scatter.add.f32 [tilespmem:s10], [sflag:$0x3], $0x1, s21, s7, $0xb8;
	[tilespmem:$0x1BB00] =	vst v63  }
0x110: {  	_ =	swait.ge [sflag:s11], $0x2800  }
0x111: {  	[sflag:s11] =	ssyncset.done $0x0  }
0x112: {  	[sflag:s11] =	ssyncadd.s32 $0xFFFFD800  }
0x113: {  	[spmem:s14] =	stream.indirect.scatter.add.f32 [tilespmem:s13], [sflag:$0x4], $0x80, s19, s7, $0xb8;
	[tilespmem:$0x1BB00] =	vst v63  }
0x114: {  	_ =	swait.ge [sflag:s1], $0x2800  }
0x115: {  	[sflag:s1] =	ssyncset.done $0x0  }
0x116: {  	s19 =	sadd.s32 $0x14320, s17;
	[sflag:s1] =	ssyncadd.s32 $0xFFFFD800  }
0x117: {  	[tilespmem:s13], [sflag:$0x1] =	stream.indirect.gather [hbm4b:s0+s7], $0x80, s19, s7, $0xb8;
	[tilespmem:$0x1BB00] =	vst v63  }
0x118: {  	_ =	swait.ge [sflag:s12], $0x2800  }
0x119: {  	[sflag:s12] =	ssyncset.done $0x0  }
0x11a: {  	[sflag:s12] =	ssyncadd.s32 $0xFFFFD800  }
0x11b: {  	[spmem:s14] =	stream.indirect.scatter.add.f32 [tilespmem:s9], [sflag:$0x4], $0x80, s21, s7, $0xb8;
	[tilespmem:$0x1BB00] =	vst v63  }
0x11c: {  	_ =	swait.ge [sflag:s1], $0x2800  }
0x11d: {  	[sflag:s1] =	ssyncset.done $0x0  }
0x11e: {  	s17 =	sadd.s32 $0x14370, s17;
	[sflag:s1] =	ssyncadd.s32 $0xFFFFD800  }
0x11f: {  	[tilespmem:s9], [sflag:$0x2] =	stream.indirect.gather [hbm4b:s0+s7], $0x80, s17, s7, $0xb8;
	[tilespmem:$0x1BB00] =	vst v63  }
.Ltmp1:
0x120: {  	_ =	swait.ge [sflag:s15], $0x50;
	(pc) =	sbr.rel @p0 .LBB2_4-.Ltmp1, $4  }
0x121: {  	[sflag:s15] =	ssyncset.done $0x0  }
0x122: {  	[sflag:s15] =	ssyncadd.s32 $0xFFFFFFB0  }
0x123: {  	_ =	swait.ge [sflag:s15], $0x50  }
0x124: {  	s17 =	sshra.s32 s20, $0x2;
	[sflag:s15] =	ssyncset.done $0x0  }
0x125: {  	s19 =	sadd.s32 $0x15680, s17;
	[sflag:s15] =	ssyncadd.s32 $0xFFFFFFB0  }
0x126: {  	[spmem:s16] =	stream.indirect.scatter.add.f32 [tilespmem:s10], [sflag:$0x3], $0x1, s19, s7, $0xb8;
	[tilespmem:$0x1BB00] =	vst v63  }
0x127: {  	s20 =	sadd.s32 $0x156D0, s17  }
0x128: {  	[spmem:s16] =	stream.indirect.scatter.add.f32 [tilespmem:s10], [sflag:$0x3], $0x1, s20, s7, $0xb8;
	[tilespmem:$0x1BB00] =	vst v63  }
0x129: {  	_ =	swait.ge [sflag:s11], $0x2800  }
0x12a: {  	[sflag:s11] =	ssyncset.done $0x0  }
0x12b: {  	[sflag:s11] =	ssyncadd.s32 $0xFFFFD800  }
0x12c: {  	[spmem:s14] =	stream.indirect.scatter.add.f32 [tilespmem:s13], [sflag:$0x4], $0x80, s19, s7, $0xb8;
	[tilespmem:$0x1BB00] =	vst v63  }
0x12d: {  	_ =	swait.ge [sflag:s1], $0x2800  }
0x12e: {  	[sflag:s1] =	ssyncset.done $0x0  }
0x12f: {  	s21 =	sadd.s32 $0x14320, s17;
	[sflag:s1] =	ssyncadd.s32 $0xFFFFD800  }
0x130: {  	[tilespmem:s13], [sflag:$0x1] =	stream.indirect.gather [hbm4b:s0+s7], $0x80, s21, s7, $0xb8;
	[tilespmem:$0x1BB00] =	vst v63  }
0x131: {  	_ =	swait.ge [sflag:s12], $0x2800  }
0x132: {  	[sflag:s12] =	ssyncset.done $0x0  }
0x133: {  	[sflag:s12] =	ssyncadd.s32 $0xFFFFD800  }
0x134: {  	[spmem:s14] =	stream.indirect.scatter.add.f32 [tilespmem:s9], [sflag:$0x4], $0x80, s20, s7, $0xb8;
	[tilespmem:$0x1BB00] =	vst v63  }
0x135: {  	_ =	swait.ge [sflag:s1], $0x2800  }
0x136: {  	[sflag:s1] =	ssyncset.done $0x0  }
0x137: {  	s21 =	sadd.s32 $0x14370, s17;
	[sflag:s1] =	ssyncadd.s32 $0xFFFFD800  }
0x138: {  	[tilespmem:s9], [sflag:$0x2] =	stream.indirect.gather [hbm4b:s0+s7], $0x80, s21, s7, $0xb8;
	[tilespmem:$0x1BB00] =	vst v63  }
0x139: {  	_ =	swait.ge [sflag:s15], $0x50  }
0x13a: {  	[sflag:s15] =	ssyncset.done $0x0  }
0x13b: {  	[sflag:s15] =	ssyncadd.s32 $0xFFFFFFB0  }
0x13c: {  	_ =	swait.ge [sflag:s15], $0x50  }
0x13d: {  	s19 =	sshra.s32 s31, $0x2;
	[sflag:s15] =	ssyncset.done $0x0  }
0x13e: {  	s20 =	sadd.s32 $0x15680, s19;
	[sflag:s15] =	ssyncadd.s32 $0xFFFFFFB0  }
0x13f: {  	[spmem:s16] =	stream.indirect.scatter.add.f32 [tilespmem:s10], [sflag:$0x3], $0x1, s20, s7, $0xb8;
	[tilespmem:$0x1BB00] =	vst v63  }
0x140: {  	s17 =	sadd.s32 $0x156D0, s19  }
0x141: {  	[spmem:s16] =	stream.indirect.scatter.add.f32 [tilespmem:s10], [sflag:$0x3], $0x1, s17, s7, $0xb8;
	[tilespmem:$0x1BB00] =	vst v63  }
0x142: {  	_ =	swait.ge [sflag:s11], $0x2800  }
0x143: {  	[sflag:s11] =	ssyncset.done $0x0  }
0x144: {  	[sflag:s11] =	ssyncadd.s32 $0xFFFFD800  }
0x145: {  	[spmem:s14] =	stream.indirect.scatter.add.f32 [tilespmem:s13], [sflag:$0x4], $0x80, s20, s7, $0xb8;
	[tilespmem:$0x1BB00] =	vst v63  }
0x146: {  	_ =	swait.ge [sflag:s1], $0x2800  }
0x147: {  	[sflag:s1] =	ssyncset.done $0x0  }
0x148: {  	s21 =	simm.s32 $0x155E0;
	[sflag:s1] =	ssyncadd.s32 $0xFFFFD800  }
0x149: {  	[tilespmem:s13], [sflag:$0x1] =	stream.indirect.gather [hbm4b:s0+s7], $0x80, s21, s7, $0xb8;
	[tilespmem:$0x1BB00] =	vst v63  }
0x14a: {  	_ =	swait.ge [sflag:s12], $0x2800  }
0x14b: {  	[sflag:s12] =	ssyncset.done $0x0  }
0x14c: {  	[sflag:s12] =	ssyncadd.s32 $0xFFFFD800  }
0x14d: {  	[spmem:s14] =	stream.indirect.scatter.add.f32 [tilespmem:s9], [sflag:$0x4], $0x80, s17, s7, $0xb8;
	[tilespmem:$0x1BB00] =	vst v63  }
0x14e: {  	_ =	swait.ge [sflag:s1], $0x2800  }
0x14f: {  	[sflag:s1] =	ssyncset.done $0x0  }
0x150: {  	[sflag:s1] =	ssyncadd.s32 $0xFFFFD800  }
0x151: {  	[tilespmem:s9], [sflag:$0x2] =	stream.indirect.gather [hbm4b:s0+s7], $0x80, s18, s7, $0xb8;
	[tilespmem:$0x1BB00] =	vst v63  }
0x152: {  	_ =	swait.ge [sflag:s15], $0x50  }
0x153: {  	[sflag:s15] =	ssyncset.done $0x0  }
0x154: {  	[sflag:s15] =	ssyncadd.s32 $0xFFFFFFB0  }
0x155: {  	_ =	swait.ge [sflag:s15], $0x50  }
0x156: {  	[sflag:s15] =	ssyncset.done $0x0  }
0x157: {  	[sflag:s15] =	ssyncadd.s32 $0xFFFFFFB0  }
0x158: {  	[spmem:s16] =	stream.indirect.scatter.add.f32 [tilespmem:s10], [sflag:$0x3], $0x1, s28, s7, $0xb8;
	[tilespmem:$0x1BB00] =	vst v63  }
0x159: {  	_ = 	snop  }
0x15a: {  	[spmem:s16] =	stream.indirect.scatter.add.f32 [tilespmem:s10], [sflag:$0x3], $0x1, s6, s7, $0xb8;
	[tilespmem:$0x1BB00] =	vst v63  }
0x15b: {  	_ =	swait.ge [sflag:s11], $0x2800  }
0x15c: {  	[sflag:s11] =	ssyncset.done $0x0  }
0x15d: {  	[sflag:s11] =	ssyncadd.s32 $0xFFFFD800  }
0x15e: {  	[spmem:s14] =	stream.indirect.scatter.add.f32 [tilespmem:s13], [sflag:$0x4], $0x80, s28, s7, $0xb8;
	[tilespmem:$0x1BB00] =	vst v63  }
0x15f: {  	_ =	swait.ge [sflag:s1], $0x2800  }
0x160: {  	[sflag:s1] =	ssyncset.done $0x0  }
0x161: {  	[sflag:s1] =	ssyncadd.s32 $0xFFFFD800  }
0x162: {  	[tilespmem:s13], [sflag:$0x1] =	stream.indirect.gather [hbm4b:s0+s7], $0x80, s18, s7, $0xb8;
	[tilespmem:$0x1BB00] =	vst v63  }
0x163: {  	_ =	swait.ge [sflag:s12], $0x2800  }
0x164: {  	[sflag:s12] =	ssyncset.done $0x0  }
0x165: {  	[sflag:s12] =	ssyncadd.s32 $0xFFFFD800  }
0x166: {  	[spmem:s14] =	stream.indirect.scatter.add.f32 [tilespmem:s9], [sflag:$0x4], $0x80, s6, s7, $0xb8;
	[tilespmem:$0x1BB00] =	vst v63  }
0x167: {  	_ =	swait.ge [sflag:s1], $0x2800  }
0x168: {  	[sflag:s1] =	ssyncset.done $0x0  }
0x169: {  	[sflag:s1] =	ssyncadd.s32 $0xFFFFD800  }
0x16a: {  	[tilespmem:s9], [sflag:$0x2] =	stream.indirect.gather [hbm4b:s0+s7], $0x80, s18, s7, $0xb8;
	[tilespmem:$0x1BB00] =	vst v63  }
0x16b: {  	_ =	swait.ge [sflag:s15], $0x50  }
0x16c: {  	[sflag:s15] =	ssyncset.done $0x0  }
0x16d: {  	[sflag:s15] =	ssyncadd.s32 $0xFFFFFFB0  }
0x16e: {  	_ =	swait.ge [sflag:s15], $0x50  }
0x16f: {  	[sflag:s15] =	ssyncset.done $0x0  }
0x170: {  	[sflag:s15] =	ssyncadd.s32 $0xFFFFFFB0  }
0x171: {  	_ =	swait.ge [sflag:s11], $0x2800  }
0x172: {  	[sflag:s11] =	ssyncset.done $0x0  }
0x173: {  	[sflag:s11] =	ssyncadd.s32 $0xFFFFD800  }
0x174: {  	_ =	swait.ge [sflag:s12], $0x2800  }
0x175: {  	[sflag:s12] =	ssyncset.done $0x0  }
0x176: {  	[sflag:s12] =	ssyncadd.s32 $0xFFFFD800  }
0x177: {  	[bflag:$0x0] =	sbarrier.arrive $0xFFFF  }
0x178: {  	[tilespmem:s13], [sflag:$0x4] =	stream.linear.gather [spmem:s22], $0x2800, $0x38;
	[tilespmem:$0x1BB00] =	vst v63  }
0x179: {  	_ =	swait.ge [sflag:s1], $0x2800  }
0x17a: {  	[sflag:s1] =	ssyncset.done $0x0  }
0x17b: {  	s20 =	rddreg [dreg:$0xa];
	[sflag:s1] =	ssyncadd.s32 $0xFFFFD800  }
0x17c: {  	[hbm4b:s20+s2] =	stream.linear.scatter [tilespmem:s13], [sflag:$0x1], $0x2800, $0x38;
	[tilespmem:$0x1BB00] =	vst v63  }
0x17d: {  	_ = 	snop  }
0x17e: {  	[tilespmem:s9], [sflag:$0x4] =	stream.linear.gather [spmem:s23], $0x2800, $0x38;
	[tilespmem:$0x1BB00] =	vst v63  }
0x17f: {  	_ =	swait.ge [sflag:s1], $0x2800  }
0x180: {  	[sflag:s1] =	ssyncset.done $0x0  }
0x181: {  	s21 =	rddreg [dreg:$0xb];
	[sflag:s1] =	ssyncadd.s32 $0xFFFFD800  }
0x182: {  	[hbm4b:s21+s2] =	stream.linear.scatter [tilespmem:s9], [sflag:$0x2], $0x2800, $0x38;
	[tilespmem:$0x1BB00] =	vst v63  }
0x183: {  	_ =	swait.ge [sflag:s11], $0x2800  }
0x184: {  	[sflag:s11] =	ssyncset.done $0x0  }
0x185: {  	[sflag:s11] =	ssyncadd.s32 $0xFFFFD800  }
0x186: {  	[tilespmem:s13], [sflag:$0x4] =	stream.linear.gather [spmem:s24], $0x2800, $0x38;
	[tilespmem:$0x1BB00] =	vst v63  }
0x187: {  	_ =	swait.ge [sflag:s1], $0x2800  }
0x188: {  	[sflag:s1] =	ssyncset.done $0x0  }
0x189: {  	s19 =	smov.u32 s22;
	s22 =	rddreg [dreg:$0xc];
	[sflag:s1] =	ssyncadd.s32 $0xFFFFD800  }
0x18a: {  	[hbm4b:s22+s2] =	stream.linear.scatter [tilespmem:s13], [sflag:$0x1], $0x2800, $0x38;
	[tilespmem:$0x1BB00] =	vst v63  }
0x18b: {  	_ =	swait.ge [sflag:s12], $0x2800  }
0x18c: {  	[sflag:s12] =	ssyncset.done $0x0  }
0x18d: {  	[sflag:s12] =	ssyncadd.s32 $0xFFFFD800  }
0x18e: {  	[tilespmem:s9], [sflag:$0x4] =	stream.linear.gather [spmem:s25], $0x2800, $0x38;
	[tilespmem:$0x1BB00] =	vst v63  }
0x18f: {  	_ =	swait.ge [sflag:s1], $0x2800  }
0x190: {  	[sflag:s1] =	ssyncset.done $0x0  }
0x191: {  	s20 =	smov.u32 s23;
	s23 =	rddreg [dreg:$0xd];
	[sflag:s1] =	ssyncadd.s32 $0xFFFFD800  }
0x192: {  	[hbm4b:s23+s2] =	stream.linear.scatter [tilespmem:s9], [sflag:$0x2], $0x2800, $0x38;
	[tilespmem:$0x1BB00] =	vst v63  }
0x193: {  	_ =	swait.ge [sflag:s11], $0x2800  }
0x194: {  	[sflag:s11] =	ssyncset.done $0x0  }
0x195: {  	[sflag:s11] =	ssyncadd.s32 $0xFFFFD800  }
0x196: {  	[tilespmem:s13], [sflag:$0x4] =	stream.linear.gather [spmem:s26], $0x2800, $0x38;
	[tilespmem:$0x1BB00] =	vst v63  }
0x197: {  	_ =	swait.ge [sflag:s1], $0x2800  }
0x198: {  	[sflag:s1] =	ssyncset.done $0x0  }
0x199: {  	s21 =	smov.u32 s24;
	s24 =	rddreg [dreg:$0xe];
	[sflag:s1] =	ssyncadd.s32 $0xFFFFD800  }
0x19a: {  	[hbm4b:s24+s2] =	stream.linear.scatter [tilespmem:s13], [sflag:$0x1], $0x2800, $0x38;
	[tilespmem:$0x1BB00] =	vst v63  }
0x19b: {  	_ =	swait.ge [sflag:s12], $0x2800  }
0x19c: {  	[sflag:s12] =	ssyncset.done $0x0  }
0x19d: {  	[sflag:s12] =	ssyncadd.s32 $0xFFFFD800  }
0x19e: {  	[tilespmem:s9], [sflag:$0x4] =	stream.linear.gather [spmem:s3], $0x2800, $0x38;
	[tilespmem:$0x1BB00] =	vst v63  }
0x19f: {  	_ =	swait.ge [sflag:s1], $0x2800  }
0x1a0: {  	[sflag:s1] =	ssyncset.done $0x0  }
0x1a1: {  	s31 =	smov.u32 s25;
	s25 =	rddreg [dreg:$0xf];
	[sflag:s1] =	ssyncadd.s32 $0xFFFFD800  }
0x1a2: {  	[hbm4b:s25+s2] =	stream.linear.scatter [tilespmem:s9], [sflag:$0x2], $0x2800, $0x38;
	[tilespmem:$0x1BB00] =	vst v63  }
0x1a3: {  	_ =	swait.ge [sflag:s11], $0x2800  }
0x1a4: {  	[sflag:s11] =	ssyncset.done $0x0  }
0x1a5: {  	[sflag:s11] =	ssyncadd.s32 $0xFFFFD800  }
0x1a6: {  	[tilespmem:s13], [sflag:$0x4] =	stream.linear.gather [spmem:s4], $0x2800, $0x38;
	[tilespmem:$0x1BB00] =	vst v63  }
0x1a7: {  	_ =	swait.ge [sflag:s1], $0x2800  }
0x1a8: {  	[sflag:s1] =	ssyncset.done $0x0  }
0x1a9: {  	s22 =	smov.u32 s4;
	s4 =	rddreg [dreg:$0x10];
	[sflag:s1] =	ssyncadd.s32 $0xFFFFD800  }
0x1aa: {  	[hbm4b:s4+s2] =	stream.linear.scatter [tilespmem:s13], [sflag:$0x1], $0x2800, $0x38;
	[tilespmem:$0x1BB00] =	vst v63  }
0x1ab: {  	_ =	swait.ge [sflag:s12], $0x2800  }
0x1ac: {  	[sflag:s12] =	ssyncset.done $0x0  }
0x1ad: {  	[sflag:s12] =	ssyncadd.s32 $0xFFFFD800  }
0x1ae: {  	[tilespmem:s9], [sflag:$0x4] =	stream.linear.gather [spmem:s5], $0x2800, $0x38;
	[tilespmem:$0x1BB00] =	vst v63  }
0x1af: {  	_ =	swait.ge [sflag:s1], $0x2800  }
0x1b0: {  	[sflag:s1] =	ssyncset.done $0x0  }
0x1b1: {  	s23 =	rddreg [dreg:$0x11];
	[sflag:s1] =	ssyncadd.s32 $0xFFFFD800  }
0x1b2: {  	[hbm4b:s23+s2] =	stream.linear.scatter [tilespmem:s9], [sflag:$0x2], $0x2800, $0x38;
	[tilespmem:$0x1BB00] =	vst v63  }
0x1b3: {  	_ =	swait.ge [sflag:s11], $0x2800  }
0x1b4: {  	[sflag:s11] =	ssyncset.done $0x0  }
0x1b5: {  	[sflag:s11] =	ssyncadd.s32 $0xFFFFD800  }
0x1b6: {  	_ =	swait.ge [sflag:s12], $0x2800  }
0x1b7: {  	s17 =	smov.u32 s26;
	s26 =	simm.s32 $0x10;
	[sflag:s12] =	ssyncset.done $0x0  }
0x1b8: {  	s25 =	simm.s32 $0x20;
	s24 =	rddreg [dreg:$0x15];
	[sflag:s12] =	ssyncadd.s32 $0xFFFFD800  }
0x1b9: {  	[hbm:s24@s25], [sflag:s30] =	dma.strided [spmem:s8@s26], $0x50, s11, $0x10   }
0x1ba: {  	_ =	swait.ge [sflag:s1], $0x50  }
0x1bb: {  	s29 =	sadd.s32 $0x1, s29;
	s30 =	rddreg [dreg:$0x16]  }
0x1bc: {  	p0 =	sne.s32 s29, s30  }
.Ltmp2:
0x1bd: {  	_ = 	snop;
	(pc) =	sbr.rel @p0 .LBB2_1-.Ltmp2, $3  }
0x1be: {  	_ =	sdelay $0x1  }
0x1bf: {  	[sflag:s1] =	ssyncset.done $0x0  }
0x1c0: {  	[sflag:s1] =	ssyncadd.s32 $0xFFFFFFB0  }
0x1c1: {  	_ =	sfence.sel $0x180000  }
0x1c2: {  	[bflag:$0x0] =	sbarrier.arrive $0xFFFF  }
0x1c3: {  	_ =	strace $0x90000047  }
0x1c4: {  	s0 =	stileid.u32;
	[bflag:$0x2] =	sbarrier.arrive $0xFFFF  }
0x1c5: {  	p0 =	sne.s32 s0, $0x0;
	s0 =	rddreg [dreg:$0x5]  }
0x1c6: {  	s0 =	sadd.s32 @!p0 $0x100000, s0  }
0x1c7: {  	[sflag:s0] =	ssyncadd.tile.s32 @!p0 $0x1;
	_ =	shalt  }
.Lfunc_end2:
_tile_overlayer_lowered:
.L_overlay_start_2:
0x1c8: {  	(tag) =	ssettag $0x2  }
0x1c9: {  	s0 =	rddreg [dreg:$0x0];
	s2 =	stileid.u32  }
0x1ca: {  	s1 =	rddreg [dreg:$0x1];
	p0 =	sne.s32 s2, $0x0  }
0x1cb: {  	s3 =	rddreg [dreg:$0x2];
	[bflag:$0x3] =	sbarrier.arrive $0xFFFF;
	s2 =	simm.s32 @!p0 $0x1C04  }
0x1cc: {  	[timem:s3], [sflag:s2] =	dma.local @!p0 [hbm:s0], s1  }
0x1cd: {  	s0 =	simm.s32 @!p0 $0x4  }
0x1ce: {  	_ =	swait.ge @!p0 [sflag:s0], s1  }
0x1cf: {  	s1 =	ssub.s32 @!p0 $0x0, s1;
	[sflag:s0] =	ssyncset.done @!p0 $0x0  }
0x1d0: {  	[sflag:s0] =	ssyncadd.s32 @!p0 s1  }
0x1d1: {  	[bflag:$0x3] =	sbarrier.arrive $0xFFFF  }
0x1d2: {  	_ =	shalt  }

</sc_bundles>
